<compile_context>
chip_gen: v7x
topology: tpu7x:2x2x1
jax: 0.10.2.dev20260603
libtpu: 0.0.44.dev20260713+nightly
codegen_flags: <defaults>
</compile_context>

<pallas_src>
import jax
import jax.numpy as jnp
from jax import lax
from jax.experimental import pallas as pl
from jax.experimental.pallas import tpu as pltpu
from jax.experimental.pallas import tpu_sc as plsc

M = 8
K = 1024
D = 256
SUB = D // M

TN = 256

NW = 32
CH = 128


def _csq_body(m2cb_ref, csq_ref):
    for m in range(M):
        c2 = m2cb_ref[m]
        csq_ref[m, :] = 0.25 * jnp.sum(c2 * c2, axis=1)


def _tc_body(x_ref, m2cb_ref, csq_ref, iota_ref, codes_ref):
    xs = x_ref[...]
    cross = jnp.concatenate(
        [jax.lax.dot_general(
            xs[:, m * SUB:(m + 1) * SUB], m2cb_ref[m],
            (((1,), (1,)), ((), ())), preferred_element_type=jnp.float32)
         for m in range(M)], axis=1)
    dist = cross.reshape(TN, M, K) + csq_ref[...][None]
    dmin = jnp.min(dist, axis=2, keepdims=True)
    codesf = jnp.min(
        jnp.where(dist == dmin, iota_ref[...][None], float(K)), axis=2)
    codes_ref[...] = codesf.astype(jnp.int32)


def _sc_gather(idx_hbm, table_hbm, xr_out, side_out, idx_v, rows_v, sem):
    tpw = rows_v.shape[0] // M
    wid = lax.axis_index("s") * 2 + lax.axis_index("c")
    t0 = wid * tpw
    pltpu.sync_copy(idx_hbm.at[wid], idx_v)
    copies = [
        pltpu.async_copy(table_hbm.at[idx_v.at[j]],
                         rows_v.at[pl.ds(j * CH, CH)], sem)
        for j in range(idx_v.shape[0])
    ]
    for c in copies:
        c.wait()
    for m in range(M):
        seg = rows_v.at[pl.ds(m * tpw, tpw), :]
        pltpu.sync_copy(seg, side_out.at[m, pl.ds(t0, tpw), :])
        pltpu.sync_copy(seg, xr_out.at[pl.ds(t0, tpw), pl.ds(m * SUB, SUB)])


@jax.jit
def kernel(x, codebook):
    n = x.shape[0]
    grid = n // TN
    iota2d = jax.lax.broadcasted_iota(jnp.float32, (M, K), 1)
    m2cb = -2.0 * codebook

    csq = pl.pallas_call(
        _csq_body,
        out_shape=jax.ShapeDtypeStruct((M, K), jnp.float32),
    )(m2cb)

    codes = pl.pallas_call(
        _tc_body,
        grid=(grid,),
        in_specs=[
            pl.BlockSpec((TN, D), lambda i: (i, 0)),
            pl.BlockSpec((M, K, SUB), lambda i: (0, 0, 0)),
            pl.BlockSpec((M, K), lambda i: (0, 0)),
            pl.BlockSpec((M, K), lambda i: (0, 0)),
        ],
        out_specs=pl.BlockSpec((TN, M), lambda i: (i, 0)),
        out_shape=jax.ShapeDtypeStruct((n, M), jnp.int32),
    )(x, m2cb, csq, iota2d)

    tpw = n // NW
    rpw = tpw * M
    nch = rpw // CH
    flat_mn = codes.T + jnp.arange(M, dtype=jnp.int32)[:, None] * K
    idx_w = flat_mn.reshape(M, NW, tpw).swapaxes(0, 1).reshape(NW, nch, CH)
    table = codebook.reshape(M * K, SUB)

    mesh = plsc.VectorSubcoreMesh(core_axis_name="c", subcore_axis_name="s")
    x_recon, side = pl.kernel(
        _sc_gather,
        out_type=[
            jax.ShapeDtypeStruct((n, D), jnp.float32),
            jax.ShapeDtypeStruct((M, n, SUB), jnp.float32),
        ],
        mesh=mesh,
        scratch_types=[
            pltpu.VMEM((nch, CH), jnp.int32),
            pltpu.VMEM((rpw, SUB), jnp.float32),
            pltpu.SemaphoreType.DMA,
        ],
        compiler_params=pltpu.CompilerParams(use_tc_tiling_on_sc=False),
    )(idx_w, table)

    return (x_recon, codes, side)

# --- scband reference (transcript-rebuilt; emitter-appended) ---
"""Pipeline reference for scband-dpq-19232863551821 (READ-ONLY COPY).

The authoritative reference and input builder live on the scoring server;
editing this copy changes nothing except your own understanding.
"""

import jax, jax.numpy as jnp
import numpy as np

M = 8
K = 1024
D = 256
SUB = D // M
N = 9216

def setup_inputs(seed: int = 0) -> dict:
    key = jax.random.key(seed)
    k1, k2 = jax.random.split(key)
    x = jax.random.normal(k1, (N, D), dtype=jnp.float32)
    # learned PQ codebook: [M subspaces, K codes, SUB dims], kaiming-uniform-ish init
    bound = np.sqrt(6.0 / SUB)
    codebook = jax.random.uniform(k2, (M, K, SUB), dtype=jnp.float32, minval=-bound, maxval=bound)
    return {"x": x, "codebook": codebook}

def reference(x, codebook):
    n = x.shape[0]
    # split x into M subvectors: n (m d) -> n m d
    xs = x.reshape(n, M, SUB)
    # squared L2 distances to each of K codewords per subspace: [n, M, K]
    x_sq = jnp.sum(xs * xs, axis=-1)[:, :, None]
    c_sq = jnp.sum(codebook * codebook, axis=-1)[None, :, :]
    cross = jnp.einsum('nmd,mkd->nmk', xs, codebook)
    dist = x_sq - 2.0 * cross + c_sq
    # hard assignment codes: [n, M]
    codes = jnp.argmin(dist, axis=-1)
    # gather codewords: codebook[m, codes[:, m]] for each m -> [n, M, SUB]
    m_idx = jnp.arange(M)[None, :]
    recon_sub = codebook[m_idx, codes]  # [n, M, SUB]
    # rearrange m n d -> n (m d)
    x_recon = recon_sub.reshape(n, D)
    # side_output: rearrange 'n (m d) -> m n d'
    side_output = jnp.transpose(recon_sub, (1, 0, 2))
    return (x_recon, codes, side_output)

if __name__ == "__main__":
    import jax
    _d = setup_inputs()
    print(jax.jit(kernel)(*tuple(_d.values())))

</pallas_src>

<mosaic_0001>
#map = affine_map<(d0, d1) -> (0, 0, 0)>
#map1 = affine_map<(d0, d1) -> (0, 0)>
module attributes {stable_mosaic.version = 14 : i64} {
  func.func @_sc_gather(%arg0: i32, %arg1: i32, %arg2: memref<32x18x128xi32, #tpu.memory_space<hbm>>, %arg3: memref<8192x32xf32, #tpu.memory_space<hbm>>, %arg4: memref<9216x256xf32, #tpu.memory_space<hbm>>, %arg5: memref<8x9216x32xf32, #tpu.memory_space<hbm>>, %arg6: memref<18x128xi32, #tpu.memory_space<vmem>>, %arg7: memref<2304x32xf32, #tpu.memory_space<vmem>>, %arg8: memref<!tpu.dma_semaphore, #tpu.memory_space<semaphore_mem>>) attributes {dimension_semantics = [#tpu.dimension_semantics<core_parallel>, #tpu.dimension_semantics<subcore_parallel>], iteration_bounds = array<i64: 2, 16>, scalar_prefetch = 0 : i64, scratch_operands = 3 : i64, tpu.core_type = #tpu.core_type<sc_vector_subcore>, window_params = [{transform_indices = #map}, {transform_indices = #map1}, {transform_indices = #map1}, {transform_indices = #map}]} {
    %mul3A = arith.constant 2 : i32
    %mul3A_0 = arith.muli %arg1, %mul3A : i32
    %add3A = arith.addi %mul3A_0, %arg0 : i32
    %mul3A_1 = arith.constant 288 : i32
    %mul3A_2 = arith.muli %add3A, %mul3A_1 : i32
    "tpu.region"() ({
      %run_scoped3A_368 = tpu.sem_alloc : memref<!tpu.dma_semaphore, #tpu.memory_space<semaphore_mem>>
      %dma_start3A_369 = arith.constant 0 : i32
      %dma_start3A_370 = arith.constant 0 : i32
      %dma_start3A_371 = tpu.memref_slice %arg2[%add3A, %dma_start3A_369, %dma_start3A_370] : memref<32x18x128xi32, #tpu.memory_space<hbm>> -> memref<1x18x128xi32, #tpu.memory_space<hbm>>
      %dma_start3A_372 = tpu.memref_squeeze %dma_start3A_371 : memref<1x18x128xi32, #tpu.memory_space<hbm>> -> memref<18x128xi32, #tpu.memory_space<hbm>>
      %dma_start3A_373 = arith.constant 0 : i32
      %dma_start3A_374 = arith.constant 0 : i32
      %dma_start3A_375 = tpu.memref_slice %arg2[%add3A, %dma_start3A_373, %dma_start3A_374] : memref<32x18x128xi32, #tpu.memory_space<hbm>> -> memref<1x18x128xi32, #tpu.memory_space<hbm>>
      %dma_start3A_376 = tpu.memref_squeeze %dma_start3A_375 : memref<1x18x128xi32, #tpu.memory_space<hbm>> -> memref<18x128xi32, #tpu.memory_space<hbm>>
      tpu.enqueue_dma source(%dma_start3A_376 : memref<18x128xi32, #tpu.memory_space<hbm>>) target(%arg6 : memref<18x128xi32, #tpu.memory_space<vmem>>) target_semaphore(%run_scoped3A_368 : memref<!tpu.dma_semaphore, #tpu.memory_space<semaphore_mem>>)
      %dma_wait3A_377 = arith.constant 0 : i32
      %dma_wait3A_378 = arith.constant 0 : i32
      %dma_wait3A_379 = tpu.memref_slice %arg2[%add3A, %dma_wait3A_377, %dma_wait3A_378] : memref<32x18x128xi32, #tpu.memory_space<hbm>> -> memref<1x18x128xi32, #tpu.memory_space<hbm>>
      %dma_wait3A_380 = tpu.memref_squeeze %dma_wait3A_379 : memref<1x18x128xi32, #tpu.memory_space<hbm>> -> memref<18x128xi32, #tpu.memory_space<hbm>>
      %dma_wait3A_381 = arith.constant 0 : i32
      %dma_wait3A_382 = arith.constant 0 : i32
      %dma_wait3A_383 = tpu.memref_slice %arg2[%add3A, %dma_wait3A_381, %dma_wait3A_382] : memref<32x18x128xi32, #tpu.memory_space<hbm>> -> memref<1x18x128xi32, #tpu.memory_space<hbm>>
      %dma_wait3A_384 = tpu.memref_squeeze %dma_wait3A_383 : memref<1x18x128xi32, #tpu.memory_space<hbm>> -> memref<18x128xi32, #tpu.memory_space<hbm>>
      tpu.wait_dma2 semaphore(%run_scoped3A_368 : memref<!tpu.dma_semaphore, #tpu.memory_space<semaphore_mem>>) src(%dma_wait3A_384 : memref<18x128xi32, #tpu.memory_space<hbm>>) dst(%arg6 : memref<18x128xi32, #tpu.memory_space<vmem>>)
      tpu.yield
    }) : () -> ()
    %dma_start3A = arith.constant 0 : i32
    %dma_start3A_3 = arith.constant 0 : i32
    %dma_start3A_4 = arith.constant 0 : i32
    %dma_start3A_5 = tpu.memref_slice %arg7[%dma_start3A_3, %dma_start3A_4] : memref<2304x32xf32, #tpu.memory_space<vmem>> -> memref<128x32xf32, #tpu.memory_space<vmem>>
    %dma_start3A_6 = arith.constant 0 : i32
    %dma_start3A_7 = tpu.memref_slice %arg6[%dma_start3A, %dma_start3A_6] : memref<18x128xi32, #tpu.memory_space<vmem>> -> memref<1x128xi32, #tpu.memory_space<vmem>>
    %dma_start3A_8 = tpu.memref_squeeze %dma_start3A_7 : memref<1x128xi32, #tpu.memory_space<vmem>> -> memref<128xi32, #tpu.memory_space<vmem>>
    %dma_start3A_9 = arith.constant 0 : i32
    %dma_start3A_10 = arith.constant 0 : i32
    %dma_start3A_11 = tpu.memref_slice %arg3[%dma_start3A_9, %dma_start3A_10] : memref<8192x32xf32, #tpu.memory_space<hbm>> -> memref<8192x32xf32, #tpu.memory_space<hbm>>
    tpu.enqueue_indirect_dma source(%dma_start3A_11 : memref<8192x32xf32, #tpu.memory_space<hbm>>) target(%dma_start3A_5 : memref<128x32xf32, #tpu.memory_space<vmem>>) offsets(%dma_start3A_8 : memref<128xi32, #tpu.memory_space<vmem>>) semaphore(%arg8 : memref<!tpu.dma_semaphore, #tpu.memory_space<semaphore_mem>>)
    %dma_start3A_12 = arith.constant 1 : i32
    %dma_start3A_13 = arith.constant 128 : i32
    %dma_start3A_14 = arith.constant 0 : i32
    %dma_start3A_15 = tpu.memref_slice %arg7[%dma_start3A_13, %dma_start3A_14] : memref<2304x32xf32, #tpu.memory_space<vmem>> -> memref<128x32xf32, #tpu.memory_space<vmem>>
    %dma_start3A_16 = arith.constant 0 : i32
    %dma_start3A_17 = tpu.memref_slice %arg6[%dma_start3A_12, %dma_start3A_16] : memref<18x128xi32, #tpu.memory_space<vmem>> -> memref<1x128xi32, #tpu.memory_space<vmem>>
    %dma_start3A_18 = tpu.memref_squeeze %dma_start3A_17 : memref<1x128xi32, #tpu.memory_space<vmem>> -> memref<128xi32, #tpu.memory_space<vmem>>
    %dma_start3A_19 = arith.constant 0 : i32
    %dma_start3A_20 = arith.constant 0 : i32
    %dma_start3A_21 = tpu.memref_slice %arg3[%dma_start3A_19, %dma_start3A_20] : memref<8192x32xf32, #tpu.memory_space<hbm>> -> memref<8192x32xf32, #tpu.memory_space<hbm>>
    tpu.enqueue_indirect_dma source(%dma_start3A_21 : memref<8192x32xf32, #tpu.memory_space<hbm>>) target(%dma_start3A_15 : memref<128x32xf32, #tpu.memory_space<vmem>>) offsets(%dma_start3A_18 : memref<128xi32, #tpu.memory_space<vmem>>) semaphore(%arg8 : memref<!tpu.dma_semaphore, #tpu.memory_space<semaphore_mem>>)
    %dma_start3A_22 = arith.constant 2 : i32
    %dma_start3A_23 = arith.constant 256 : i32
    %dma_start3A_24 = arith.constant 0 : i32
    %dma_start3A_25 = tpu.memref_slice %arg7[%dma_start3A_23, %dma_start3A_24] : memref<2304x32xf32, #tpu.memory_space<vmem>> -> memref<128x32xf32, #tpu.memory_space<vmem>>
    %dma_start3A_26 = arith.constant 0 : i32
    %dma_start3A_27 = tpu.memref_slice %arg6[%dma_start3A_22, %dma_start3A_26] : memref<18x128xi32, #tpu.memory_space<vmem>> -> memref<1x128xi32, #tpu.memory_space<vmem>>
    %dma_start3A_28 = tpu.memref_squeeze %dma_start3A_27 : memref<1x128xi32, #tpu.memory_space<vmem>> -> memref<128xi32, #tpu.memory_space<vmem>>
    %dma_start3A_29 = arith.constant 0 : i32
    %dma_start3A_30 = arith.constant 0 : i32
    %dma_start3A_31 = tpu.memref_slice %arg3[%dma_start3A_29, %dma_start3A_30] : memref<8192x32xf32, #tpu.memory_space<hbm>> -> memref<8192x32xf32, #tpu.memory_space<hbm>>
    tpu.enqueue_indirect_dma source(%dma_start3A_31 : memref<8192x32xf32, #tpu.memory_space<hbm>>) target(%dma_start3A_25 : memref<128x32xf32, #tpu.memory_space<vmem>>) offsets(%dma_start3A_28 : memref<128xi32, #tpu.memory_space<vmem>>) semaphore(%arg8 : memref<!tpu.dma_semaphore, #tpu.memory_space<semaphore_mem>>)
    %dma_start3A_32 = arith.constant 3 : i32
    %dma_start3A_33 = arith.constant 384 : i32
    %dma_start3A_34 = arith.constant 0 : i32
    %dma_start3A_35 = tpu.memref_slice %arg7[%dma_start3A_33, %dma_start3A_34] : memref<2304x32xf32, #tpu.memory_space<vmem>> -> memref<128x32xf32, #tpu.memory_space<vmem>>
    %dma_start3A_36 = arith.constant 0 : i32
    %dma_start3A_37 = tpu.memref_slice %arg6[%dma_start3A_32, %dma_start3A_36] : memref<18x128xi32, #tpu.memory_space<vmem>> -> memref<1x128xi32, #tpu.memory_space<vmem>>
    %dma_start3A_38 = tpu.memref_squeeze %dma_start3A_37 : memref<1x128xi32, #tpu.memory_space<vmem>> -> memref<128xi32, #tpu.memory_space<vmem>>
    %dma_start3A_39 = arith.constant 0 : i32
    %dma_start3A_40 = arith.constant 0 : i32
    %dma_start3A_41 = tpu.memref_slice %arg3[%dma_start3A_39, %dma_start3A_40] : memref<8192x32xf32, #tpu.memory_space<hbm>> -> memref<8192x32xf32, #tpu.memory_space<hbm>>
    tpu.enqueue_indirect_dma source(%dma_start3A_41 : memref<8192x32xf32, #tpu.memory_space<hbm>>) target(%dma_start3A_35 : memref<128x32xf32, #tpu.memory_space<vmem>>) offsets(%dma_start3A_38 : memref<128xi32, #tpu.memory_space<vmem>>) semaphore(%arg8 : memref<!tpu.dma_semaphore, #tpu.memory_space<semaphore_mem>>)
    %dma_start3A_42 = arith.constant 4 : i32
    %dma_start3A_43 = arith.constant 512 : i32
    %dma_start3A_44 = arith.constant 0 : i32
    %dma_start3A_45 = tpu.memref_slice %arg7[%dma_start3A_43, %dma_start3A_44] : memref<2304x32xf32, #tpu.memory_space<vmem>> -> memref<128x32xf32, #tpu.memory_space<vmem>>
    %dma_start3A_46 = arith.constant 0 : i32
    %dma_start3A_47 = tpu.memref_slice %arg6[%dma_start3A_42, %dma_start3A_46] : memref<18x128xi32, #tpu.memory_space<vmem>> -> memref<1x128xi32, #tpu.memory_space<vmem>>
    %dma_start3A_48 = tpu.memref_squeeze %dma_start3A_47 : memref<1x128xi32, #tpu.memory_space<vmem>> -> memref<128xi32, #tpu.memory_space<vmem>>
    %dma_start3A_49 = arith.constant 0 : i32
    %dma_start3A_50 = arith.constant 0 : i32
    %dma_start3A_51 = tpu.memref_slice %arg3[%dma_start3A_49, %dma_start3A_50] : memref<8192x32xf32, #tpu.memory_space<hbm>> -> memref<8192x32xf32, #tpu.memory_space<hbm>>
    tpu.enqueue_indirect_dma source(%dma_start3A_51 : memref<8192x32xf32, #tpu.memory_space<hbm>>) target(%dma_start3A_45 : memref<128x32xf32, #tpu.memory_space<vmem>>) offsets(%dma_start3A_48 : memref<128xi32, #tpu.memory_space<vmem>>) semaphore(%arg8 : memref<!tpu.dma_semaphore, #tpu.memory_space<semaphore_mem>>)
    %dma_start3A_52 = arith.constant 5 : i32
    %dma_start3A_53 = arith.constant 640 : i32
    %dma_start3A_54 = arith.constant 0 : i32
    %dma_start3A_55 = tpu.memref_slice %arg7[%dma_start3A_53, %dma_start3A_54] : memref<2304x32xf32, #tpu.memory_space<vmem>> -> memref<128x32xf32, #tpu.memory_space<vmem>>
    %dma_start3A_56 = arith.constant 0 : i32
    %dma_start3A_57 = tpu.memref_slice %arg6[%dma_start3A_52, %dma_start3A_56] : memref<18x128xi32, #tpu.memory_space<vmem>> -> memref<1x128xi32, #tpu.memory_space<vmem>>
    %dma_start3A_58 = tpu.memref_squeeze %dma_start3A_57 : memref<1x128xi32, #tpu.memory_space<vmem>> -> memref<128xi32, #tpu.memory_space<vmem>>
    %dma_start3A_59 = arith.constant 0 : i32
    %dma_start3A_60 = arith.constant 0 : i32
    %dma_start3A_61 = tpu.memref_slice %arg3[%dma_start3A_59, %dma_start3A_60] : memref<8192x32xf32, #tpu.memory_space<hbm>> -> memref<8192x32xf32, #tpu.memory_space<hbm>>
    tpu.enqueue_indirect_dma source(%dma_start3A_61 : memref<8192x32xf32, #tpu.memory_space<hbm>>) target(%dma_start3A_55 : memref<128x32xf32, #tpu.memory_space<vmem>>) offsets(%dma_start3A_58 : memref<128xi32, #tpu.memory_space<vmem>>) semaphore(%arg8 : memref<!tpu.dma_semaphore, #tpu.memory_space<semaphore_mem>>)
    %dma_start3A_62 = arith.constant 6 : i32
    %dma_start3A_63 = arith.constant 768 : i32
    %dma_start3A_64 = arith.constant 0 : i32
    %dma_start3A_65 = tpu.memref_slice %arg7[%dma_start3A_63, %dma_start3A_64] : memref<2304x32xf32, #tpu.memory_space<vmem>> -> memref<128x32xf32, #tpu.memory_space<vmem>>
    %dma_start3A_66 = arith.constant 0 : i32
    %dma_start3A_67 = tpu.memref_slice %arg6[%dma_start3A_62, %dma_start3A_66] : memref<18x128xi32, #tpu.memory_space<vmem>> -> memref<1x128xi32, #tpu.memory_space<vmem>>
    %dma_start3A_68 = tpu.memref_squeeze %dma_start3A_67 : memref<1x128xi32, #tpu.memory_space<vmem>> -> memref<128xi32, #tpu.memory_space<vmem>>
    %dma_start3A_69 = arith.constant 0 : i32
    %dma_start3A_70 = arith.constant 0 : i32
    %dma_start3A_71 = tpu.memref_slice %arg3[%dma_start3A_69, %dma_start3A_70] : memref<8192x32xf32, #tpu.memory_space<hbm>> -> memref<8192x32xf32, #tpu.memory_space<hbm>>
    tpu.enqueue_indirect_dma source(%dma_start3A_71 : memref<8192x32xf32, #tpu.memory_space<hbm>>) target(%dma_start3A_65 : memref<128x32xf32, #tpu.memory_space<vmem>>) offsets(%dma_start3A_68 : memref<128xi32, #tpu.memory_space<vmem>>) semaphore(%arg8 : memref<!tpu.dma_semaphore, #tpu.memory_space<semaphore_mem>>)
    %dma_start3A_72 = arith.constant 7 : i32
    %dma_start3A_73 = arith.constant 896 : i32
    %dma_start3A_74 = arith.constant 0 : i32
    %dma_start3A_75 = tpu.memref_slice %arg7[%dma_start3A_73, %dma_start3A_74] : memref<2304x32xf32, #tpu.memory_space<vmem>> -> memref<128x32xf32, #tpu.memory_space<vmem>>
    %dma_start3A_76 = arith.constant 0 : i32
    %dma_start3A_77 = tpu.memref_slice %arg6[%dma_start3A_72, %dma_start3A_76] : memref<18x128xi32, #tpu.memory_space<vmem>> -> memref<1x128xi32, #tpu.memory_space<vmem>>
    %dma_start3A_78 = tpu.memref_squeeze %dma_start3A_77 : memref<1x128xi32, #tpu.memory_space<vmem>> -> memref<128xi32, #tpu.memory_space<vmem>>
    %dma_start3A_79 = arith.constant 0 : i32
    %dma_start3A_80 = arith.constant 0 : i32
    %dma_start3A_81 = tpu.memref_slice %arg3[%dma_start3A_79, %dma_start3A_80] : memref<8192x32xf32, #tpu.memory_space<hbm>> -> memref<8192x32xf32, #tpu.memory_space<hbm>>
    tpu.enqueue_indirect_dma source(%dma_start3A_81 : memref<8192x32xf32, #tpu.memory_space<hbm>>) target(%dma_start3A_75 : memref<128x32xf32, #tpu.memory_space<vmem>>) offsets(%dma_start3A_78 : memref<128xi32, #tpu.memory_space<vmem>>) semaphore(%arg8 : memref<!tpu.dma_semaphore, #tpu.memory_space<semaphore_mem>>)
    %dma_start3A_82 = arith.constant 8 : i32
    %dma_start3A_83 = arith.constant 1024 : i32
    %dma_start3A_84 = arith.constant 0 : i32
    %dma_start3A_85 = tpu.memref_slice %arg7[%dma_start3A_83, %dma_start3A_84] : memref<2304x32xf32, #tpu.memory_space<vmem>> -> memref<128x32xf32, #tpu.memory_space<vmem>>
    %dma_start3A_86 = arith.constant 0 : i32
    %dma_start3A_87 = tpu.memref_slice %arg6[%dma_start3A_82, %dma_start3A_86] : memref<18x128xi32, #tpu.memory_space<vmem>> -> memref<1x128xi32, #tpu.memory_space<vmem>>
    %dma_start3A_88 = tpu.memref_squeeze %dma_start3A_87 : memref<1x128xi32, #tpu.memory_space<vmem>> -> memref<128xi32, #tpu.memory_space<vmem>>
    %dma_start3A_89 = arith.constant 0 : i32
    %dma_start3A_90 = arith.constant 0 : i32
    %dma_start3A_91 = tpu.memref_slice %arg3[%dma_start3A_89, %dma_start3A_90] : memref<8192x32xf32, #tpu.memory_space<hbm>> -> memref<8192x32xf32, #tpu.memory_space<hbm>>
    tpu.enqueue_indirect_dma source(%dma_start3A_91 : memref<8192x32xf32, #tpu.memory_space<hbm>>) target(%dma_start3A_85 : memref<128x32xf32, #tpu.memory_space<vmem>>) offsets(%dma_start3A_88 : memref<128xi32, #tpu.memory_space<vmem>>) semaphore(%arg8 : memref<!tpu.dma_semaphore, #tpu.memory_space<semaphore_mem>>)
    %dma_start3A_92 = arith.constant 9 : i32
    %dma_start3A_93 = arith.constant 1152 : i32
    %dma_start3A_94 = arith.constant 0 : i32
    %dma_start3A_95 = tpu.memref_slice %arg7[%dma_start3A_93, %dma_start3A_94] : memref<2304x32xf32, #tpu.memory_space<vmem>> -> memref<128x32xf32, #tpu.memory_space<vmem>>
    %dma_start3A_96 = arith.constant 0 : i32
    %dma_start3A_97 = tpu.memref_slice %arg6[%dma_start3A_92, %dma_start3A_96] : memref<18x128xi32, #tpu.memory_space<vmem>> -> memref<1x128xi32, #tpu.memory_space<vmem>>
    %dma_start3A_98 = tpu.memref_squeeze %dma_start3A_97 : memref<1x128xi32, #tpu.memory_space<vmem>> -> memref<128xi32, #tpu.memory_space<vmem>>
    %dma_start3A_99 = arith.constant 0 : i32
    %dma_start3A_100 = arith.constant 0 : i32
    %dma_start3A_101 = tpu.memref_slice %arg3[%dma_start3A_99, %dma_start3A_100] : memref<8192x32xf32, #tpu.memory_space<hbm>> -> memref<8192x32xf32, #tpu.memory_space<hbm>>
    tpu.enqueue_indirect_dma source(%dma_start3A_101 : memref<8192x32xf32, #tpu.memory_space<hbm>>) target(%dma_start3A_95 : memref<128x32xf32, #tpu.memory_space<vmem>>) offsets(%dma_start3A_98 : memref<128xi32, #tpu.memory_space<vmem>>) semaphore(%arg8 : memref<!tpu.dma_semaphore, #tpu.memory_space<semaphore_mem>>)
    %dma_start3A_102 = arith.constant 10 : i32
    %dma_start3A_103 = arith.constant 1280 : i32
    %dma_start3A_104 = arith.constant 0 : i32
    %dma_start3A_105 = tpu.memref_slice %arg7[%dma_start3A_103, %dma_start3A_104] : memref<2304x32xf32, #tpu.memory_space<vmem>> -> memref<128x32xf32, #tpu.memory_space<vmem>>
    %dma_start3A_106 = arith.constant 0 : i32
    %dma_start3A_107 = tpu.memref_slice %arg6[%dma_start3A_102, %dma_start3A_106] : memref<18x128xi32, #tpu.memory_space<vmem>> -> memref<1x128xi32, #tpu.memory_space<vmem>>
    %dma_start3A_108 = tpu.memref_squeeze %dma_start3A_107 : memref<1x128xi32, #tpu.memory_space<vmem>> -> memref<128xi32, #tpu.memory_space<vmem>>
    %dma_start3A_109 = arith.constant 0 : i32
    %dma_start3A_110 = arith.constant 0 : i32
    %dma_start3A_111 = tpu.memref_slice %arg3[%dma_start3A_109, %dma_start3A_110] : memref<8192x32xf32, #tpu.memory_space<hbm>> -> memref<8192x32xf32, #tpu.memory_space<hbm>>
    tpu.enqueue_indirect_dma source(%dma_start3A_111 : memref<8192x32xf32, #tpu.memory_space<hbm>>) target(%dma_start3A_105 : memref<128x32xf32, #tpu.memory_space<vmem>>) offsets(%dma_start3A_108 : memref<128xi32, #tpu.memory_space<vmem>>) semaphore(%arg8 : memref<!tpu.dma_semaphore, #tpu.memory_space<semaphore_mem>>)
    %dma_start3A_112 = arith.constant 11 : i32
    %dma_start3A_113 = arith.constant 1408 : i32
    %dma_start3A_114 = arith.constant 0 : i32
    %dma_start3A_115 = tpu.memref_slice %arg7[%dma_start3A_113, %dma_start3A_114] : memref<2304x32xf32, #tpu.memory_space<vmem>> -> memref<128x32xf32, #tpu.memory_space<vmem>>
    %dma_start3A_116 = arith.constant 0 : i32
    %dma_start3A_117 = tpu.memref_slice %arg6[%dma_start3A_112, %dma_start3A_116] : memref<18x128xi32, #tpu.memory_space<vmem>> -> memref<1x128xi32, #tpu.memory_space<vmem>>
    %dma_start3A_118 = tpu.memref_squeeze %dma_start3A_117 : memref<1x128xi32, #tpu.memory_space<vmem>> -> memref<128xi32, #tpu.memory_space<vmem>>
    %dma_start3A_119 = arith.constant 0 : i32
    %dma_start3A_120 = arith.constant 0 : i32
    %dma_start3A_121 = tpu.memref_slice %arg3[%dma_start3A_119, %dma_start3A_120] : memref<8192x32xf32, #tpu.memory_space<hbm>> -> memref<8192x32xf32, #tpu.memory_space<hbm>>
    tpu.enqueue_indirect_dma source(%dma_start3A_121 : memref<8192x32xf32, #tpu.memory_space<hbm>>) target(%dma_start3A_115 : memref<128x32xf32, #tpu.memory_space<vmem>>) offsets(%dma_start3A_118 : memref<128xi32, #tpu.memory_space<vmem>>) semaphore(%arg8 : memref<!tpu.dma_semaphore, #tpu.memory_space<semaphore_mem>>)
    %dma_start3A_122 = arith.constant 12 : i32
    %dma_start3A_123 = arith.constant 1536 : i32
    %dma_start3A_124 = arith.constant 0 : i32
    %dma_start3A_125 = tpu.memref_slice %arg7[%dma_start3A_123, %dma_start3A_124] : memref<2304x32xf32, #tpu.memory_space<vmem>> -> memref<128x32xf32, #tpu.memory_space<vmem>>
    %dma_start3A_126 = arith.constant 0 : i32
    %dma_start3A_127 = tpu.memref_slice %arg6[%dma_start3A_122, %dma_start3A_126] : memref<18x128xi32, #tpu.memory_space<vmem>> -> memref<1x128xi32, #tpu.memory_space<vmem>>
    %dma_start3A_128 = tpu.memref_squeeze %dma_start3A_127 : memref<1x128xi32, #tpu.memory_space<vmem>> -> memref<128xi32, #tpu.memory_space<vmem>>
    %dma_start3A_129 = arith.constant 0 : i32
    %dma_start3A_130 = arith.constant 0 : i32
    %dma_start3A_131 = tpu.memref_slice %arg3[%dma_start3A_129, %dma_start3A_130] : memref<8192x32xf32, #tpu.memory_space<hbm>> -> memref<8192x32xf32, #tpu.memory_space<hbm>>
    tpu.enqueue_indirect_dma source(%dma_start3A_131 : memref<8192x32xf32, #tpu.memory_space<hbm>>) target(%dma_start3A_125 : memref<128x32xf32, #tpu.memory_space<vmem>>) offsets(%dma_start3A_128 : memref<128xi32, #tpu.memory_space<vmem>>) semaphore(%arg8 : memref<!tpu.dma_semaphore, #tpu.memory_space<semaphore_mem>>)
    %dma_start3A_132 = arith.constant 13 : i32
    %dma_start3A_133 = arith.constant 1664 : i32
    %dma_start3A_134 = arith.constant 0 : i32
    %dma_start3A_135 = tpu.memref_slice %arg7[%dma_start3A_133, %dma_start3A_134] : memref<2304x32xf32, #tpu.memory_space<vmem>> -> memref<128x32xf32, #tpu.memory_space<vmem>>
    %dma_start3A_136 = arith.constant 0 : i32
    %dma_start3A_137 = tpu.memref_slice %arg6[%dma_start3A_132, %dma_start3A_136] : memref<18x128xi32, #tpu.memory_space<vmem>> -> memref<1x128xi32, #tpu.memory_space<vmem>>
    %dma_start3A_138 = tpu.memref_squeeze %dma_start3A_137 : memref<1x128xi32, #tpu.memory_space<vmem>> -> memref<128xi32, #tpu.memory_space<vmem>>
    %dma_start3A_139 = arith.constant 0 : i32
    %dma_start3A_140 = arith.constant 0 : i32
    %dma_start3A_141 = tpu.memref_slice %arg3[%dma_start3A_139, %dma_start3A_140] : memref<8192x32xf32, #tpu.memory_space<hbm>> -> memref<8192x32xf32, #tpu.memory_space<hbm>>
    tpu.enqueue_indirect_dma source(%dma_start3A_141 : memref<8192x32xf32, #tpu.memory_space<hbm>>) target(%dma_start3A_135 : memref<128x32xf32, #tpu.memory_space<vmem>>) offsets(%dma_start3A_138 : memref<128xi32, #tpu.memory_space<vmem>>) semaphore(%arg8 : memref<!tpu.dma_semaphore, #tpu.memory_space<semaphore_mem>>)
    %dma_start3A_142 = arith.constant 14 : i32
    %dma_start3A_143 = arith.constant 1792 : i32
    %dma_start3A_144 = arith.constant 0 : i32
    %dma_start3A_145 = tpu.memref_slice %arg7[%dma_start3A_143, %dma_start3A_144] : memref<2304x32xf32, #tpu.memory_space<vmem>> -> memref<128x32xf32, #tpu.memory_space<vmem>>
    %dma_start3A_146 = arith.constant 0 : i32
    %dma_start3A_147 = tpu.memref_slice %arg6[%dma_start3A_142, %dma_start3A_146] : memref<18x128xi32, #tpu.memory_space<vmem>> -> memref<1x128xi32, #tpu.memory_space<vmem>>
    %dma_start3A_148 = tpu.memref_squeeze %dma_start3A_147 : memref<1x128xi32, #tpu.memory_space<vmem>> -> memref<128xi32, #tpu.memory_space<vmem>>
    %dma_start3A_149 = arith.constant 0 : i32
    %dma_start3A_150 = arith.constant 0 : i32
    %dma_start3A_151 = tpu.memref_slice %arg3[%dma_start3A_149, %dma_start3A_150] : memref<8192x32xf32, #tpu.memory_space<hbm>> -> memref<8192x32xf32, #tpu.memory_space<hbm>>
    tpu.enqueue_indirect_dma source(%dma_start3A_151 : memref<8192x32xf32, #tpu.memory_space<hbm>>) target(%dma_start3A_145 : memref<128x32xf32, #tpu.memory_space<vmem>>) offsets(%dma_start3A_148 : memref<128xi32, #tpu.memory_space<vmem>>) semaphore(%arg8 : memref<!tpu.dma_semaphore, #tpu.memory_space<semaphore_mem>>)
    %dma_start3A_152 = arith.constant 15 : i32
    %dma_start3A_153 = arith.constant 1920 : i32
    %dma_start3A_154 = arith.constant 0 : i32
    %dma_start3A_155 = tpu.memref_slice %arg7[%dma_start3A_153, %dma_start3A_154] : memref<2304x32xf32, #tpu.memory_space<vmem>> -> memref<128x32xf32, #tpu.memory_space<vmem>>
    %dma_start3A_156 = arith.constant 0 : i32
    %dma_start3A_157 = tpu.memref_slice %arg6[%dma_start3A_152, %dma_start3A_156] : memref<18x128xi32, #tpu.memory_space<vmem>> -> memref<1x128xi32, #tpu.memory_space<vmem>>
    %dma_start3A_158 = tpu.memref_squeeze %dma_start3A_157 : memref<1x128xi32, #tpu.memory_space<vmem>> -> memref<128xi32, #tpu.memory_space<vmem>>
    %dma_start3A_159 = arith.constant 0 : i32
    %dma_start3A_160 = arith.constant 0 : i32
    %dma_start3A_161 = tpu.memref_slice %arg3[%dma_start3A_159, %dma_start3A_160] : memref<8192x32xf32, #tpu.memory_space<hbm>> -> memref<8192x32xf32, #tpu.memory_space<hbm>>
    tpu.enqueue_indirect_dma source(%dma_start3A_161 : memref<8192x32xf32, #tpu.memory_space<hbm>>) target(%dma_start3A_155 : memref<128x32xf32, #tpu.memory_space<vmem>>) offsets(%dma_start3A_158 : memref<128xi32, #tpu.memory_space<vmem>>) semaphore(%arg8 : memref<!tpu.dma_semaphore, #tpu.memory_space<semaphore_mem>>)
    %dma_start3A_162 = arith.constant 16 : i32
    %dma_start3A_163 = arith.constant 2048 : i32
    %dma_start3A_164 = arith.constant 0 : i32
    %dma_start3A_165 = tpu.memref_slice %arg7[%dma_start3A_163, %dma_start3A_164] : memref<2304x32xf32, #tpu.memory_space<vmem>> -> memref<128x32xf32, #tpu.memory_space<vmem>>
    %dma_start3A_166 = arith.constant 0 : i32
    %dma_start3A_167 = tpu.memref_slice %arg6[%dma_start3A_162, %dma_start3A_166] : memref<18x128xi32, #tpu.memory_space<vmem>> -> memref<1x128xi32, #tpu.memory_space<vmem>>
    %dma_start3A_168 = tpu.memref_squeeze %dma_start3A_167 : memref<1x128xi32, #tpu.memory_space<vmem>> -> memref<128xi32, #tpu.memory_space<vmem>>
    %dma_start3A_169 = arith.constant 0 : i32
    %dma_start3A_170 = arith.constant 0 : i32
    %dma_start3A_171 = tpu.memref_slice %arg3[%dma_start3A_169, %dma_start3A_170] : memref<8192x32xf32, #tpu.memory_space<hbm>> -> memref<8192x32xf32, #tpu.memory_space<hbm>>
    tpu.enqueue_indirect_dma source(%dma_start3A_171 : memref<8192x32xf32, #tpu.memory_space<hbm>>) target(%dma_start3A_165 : memref<128x32xf32, #tpu.memory_space<vmem>>) offsets(%dma_start3A_168 : memref<128xi32, #tpu.memory_space<vmem>>) semaphore(%arg8 : memref<!tpu.dma_semaphore, #tpu.memory_space<semaphore_mem>>)
    %dma_start3A_172 = arith.constant 17 : i32
    %dma_start3A_173 = arith.constant 2176 : i32
    %dma_start3A_174 = arith.constant 0 : i32
    %dma_start3A_175 = tpu.memref_slice %arg7[%dma_start3A_173, %dma_start3A_174] : memref<2304x32xf32, #tpu.memory_space<vmem>> -> memref<128x32xf32, #tpu.memory_space<vmem>>
    %dma_start3A_176 = arith.constant 0 : i32
    %dma_start3A_177 = tpu.memref_slice %arg6[%dma_start3A_172, %dma_start3A_176] : memref<18x128xi32, #tpu.memory_space<vmem>> -> memref<1x128xi32, #tpu.memory_space<vmem>>
    %dma_start3A_178 = tpu.memref_squeeze %dma_start3A_177 : memref<1x128xi32, #tpu.memory_space<vmem>> -> memref<128xi32, #tpu.memory_space<vmem>>
    %dma_start3A_179 = arith.constant 0 : i32
    %dma_start3A_180 = arith.constant 0 : i32
    %dma_start3A_181 = tpu.memref_slice %arg3[%dma_start3A_179, %dma_start3A_180] : memref<8192x32xf32, #tpu.memory_space<hbm>> -> memref<8192x32xf32, #tpu.memory_space<hbm>>
    tpu.enqueue_indirect_dma source(%dma_start3A_181 : memref<8192x32xf32, #tpu.memory_space<hbm>>) target(%dma_start3A_175 : memref<128x32xf32, #tpu.memory_space<vmem>>) offsets(%dma_start3A_178 : memref<128xi32, #tpu.memory_space<vmem>>) semaphore(%arg8 : memref<!tpu.dma_semaphore, #tpu.memory_space<semaphore_mem>>)
    %dma_wait3A = arith.constant 0 : i32
    %dma_wait3A_182 = arith.constant 0 : i32
    %dma_wait3A_183 = arith.constant 0 : i32
    %dma_wait3A_184 = tpu.memref_slice %arg7[%dma_wait3A_182, %dma_wait3A_183] : memref<2304x32xf32, #tpu.memory_space<vmem>> -> memref<128x32xf32, #tpu.memory_space<vmem>>
    %dma_wait3A_185 = arith.constant 0 : i32
    %dma_wait3A_186 = tpu.memref_slice %arg6[%dma_wait3A, %dma_wait3A_185] : memref<18x128xi32, #tpu.memory_space<vmem>> -> memref<1x128xi32, #tpu.memory_space<vmem>>
    %dma_wait3A_187 = tpu.memref_squeeze %dma_wait3A_186 : memref<1x128xi32, #tpu.memory_space<vmem>> -> memref<128xi32, #tpu.memory_space<vmem>>
    %dma_wait3A_188 = arith.constant 0 : i32
    %dma_wait3A_189 = arith.constant 0 : i32
    %dma_wait3A_190 = tpu.memref_slice %arg3[%dma_wait3A_188, %dma_wait3A_189] : memref<8192x32xf32, #tpu.memory_space<hbm>> -> memref<8192x32xf32, #tpu.memory_space<hbm>>
    tpu.wait_indirect_dma semaphore(%arg8 : memref<!tpu.dma_semaphore, #tpu.memory_space<semaphore_mem>>) src(%dma_wait3A_190 : memref<8192x32xf32, #tpu.memory_space<hbm>>) dst(%dma_wait3A_184 : memref<128x32xf32, #tpu.memory_space<vmem>>)
    %dma_wait3A_191 = arith.constant 1 : i32
    %dma_wait3A_192 = arith.constant 128 : i32
    %dma_wait3A_193 = arith.constant 0 : i32
    %dma_wait3A_194 = tpu.memref_slice %arg7[%dma_wait3A_192, %dma_wait3A_193] : memref<2304x32xf32, #tpu.memory_space<vmem>> -> memref<128x32xf32, #tpu.memory_space<vmem>>
    %dma_wait3A_195 = arith.constant 0 : i32
    %dma_wait3A_196 = tpu.memref_slice %arg6[%dma_wait3A_191, %dma_wait3A_195] : memref<18x128xi32, #tpu.memory_space<vmem>> -> memref<1x128xi32, #tpu.memory_space<vmem>>
    %dma_wait3A_197 = tpu.memref_squeeze %dma_wait3A_196 : memref<1x128xi32, #tpu.memory_space<vmem>> -> memref<128xi32, #tpu.memory_space<vmem>>
    %dma_wait3A_198 = arith.constant 0 : i32
    %dma_wait3A_199 = arith.constant 0 : i32
    %dma_wait3A_200 = tpu.memref_slice %arg3[%dma_wait3A_198, %dma_wait3A_199] : memref<8192x32xf32, #tpu.memory_space<hbm>> -> memref<8192x32xf32, #tpu.memory_space<hbm>>
    tpu.wait_indirect_dma semaphore(%arg8 : memref<!tpu.dma_semaphore, #tpu.memory_space<semaphore_mem>>) src(%dma_wait3A_200 : memref<8192x32xf32, #tpu.memory_space<hbm>>) dst(%dma_wait3A_194 : memref<128x32xf32, #tpu.memory_space<vmem>>)
    %dma_wait3A_201 = arith.constant 2 : i32
    %dma_wait3A_202 = arith.constant 256 : i32
    %dma_wait3A_203 = arith.constant 0 : i32
    %dma_wait3A_204 = tpu.memref_slice %arg7[%dma_wait3A_202, %dma_wait3A_203] : memref<2304x32xf32, #tpu.memory_space<vmem>> -> memref<128x32xf32, #tpu.memory_space<vmem>>
    %dma_wait3A_205 = arith.constant 0 : i32
    %dma_wait3A_206 = tpu.memref_slice %arg6[%dma_wait3A_201, %dma_wait3A_205] : memref<18x128xi32, #tpu.memory_space<vmem>> -> memref<1x128xi32, #tpu.memory_space<vmem>>
    %dma_wait3A_207 = tpu.memref_squeeze %dma_wait3A_206 : memref<1x128xi32, #tpu.memory_space<vmem>> -> memref<128xi32, #tpu.memory_space<vmem>>
    %dma_wait3A_208 = arith.constant 0 : i32
    %dma_wait3A_209 = arith.constant 0 : i32
    %dma_wait3A_210 = tpu.memref_slice %arg3[%dma_wait3A_208, %dma_wait3A_209] : memref<8192x32xf32, #tpu.memory_space<hbm>> -> memref<8192x32xf32, #tpu.memory_space<hbm>>
    tpu.wait_indirect_dma semaphore(%arg8 : memref<!tpu.dma_semaphore, #tpu.memory_space<semaphore_mem>>) src(%dma_wait3A_210 : memref<8192x32xf32, #tpu.memory_space<hbm>>) dst(%dma_wait3A_204 : memref<128x32xf32, #tpu.memory_space<vmem>>)
    %dma_wait3A_211 = arith.constant 3 : i32
    %dma_wait3A_212 = arith.constant 384 : i32
    %dma_wait3A_213 = arith.constant 0 : i32
    %dma_wait3A_214 = tpu.memref_slice %arg7[%dma_wait3A_212, %dma_wait3A_213] : memref<2304x32xf32, #tpu.memory_space<vmem>> -> memref<128x32xf32, #tpu.memory_space<vmem>>
    %dma_wait3A_215 = arith.constant 0 : i32
    %dma_wait3A_216 = tpu.memref_slice %arg6[%dma_wait3A_211, %dma_wait3A_215] : memref<18x128xi32, #tpu.memory_space<vmem>> -> memref<1x128xi32, #tpu.memory_space<vmem>>
    %dma_wait3A_217 = tpu.memref_squeeze %dma_wait3A_216 : memref<1x128xi32, #tpu.memory_space<vmem>> -> memref<128xi32, #tpu.memory_space<vmem>>
    %dma_wait3A_218 = arith.constant 0 : i32
    %dma_wait3A_219 = arith.constant 0 : i32
    %dma_wait3A_220 = tpu.memref_slice %arg3[%dma_wait3A_218, %dma_wait3A_219] : memref<8192x32xf32, #tpu.memory_space<hbm>> -> memref<8192x32xf32, #tpu.memory_space<hbm>>
    tpu.wait_indirect_dma semaphore(%arg8 : memref<!tpu.dma_semaphore, #tpu.memory_space<semaphore_mem>>) src(%dma_wait3A_220 : memref<8192x32xf32, #tpu.memory_space<hbm>>) dst(%dma_wait3A_214 : memref<128x32xf32, #tpu.memory_space<vmem>>)
    %dma_wait3A_221 = arith.constant 4 : i32
    %dma_wait3A_222 = arith.constant 512 : i32
    %dma_wait3A_223 = arith.constant 0 : i32
    %dma_wait3A_224 = tpu.memref_slice %arg7[%dma_wait3A_222, %dma_wait3A_223] : memref<2304x32xf32, #tpu.memory_space<vmem>> -> memref<128x32xf32, #tpu.memory_space<vmem>>
    %dma_wait3A_225 = arith.constant 0 : i32
    %dma_wait3A_226 = tpu.memref_slice %arg6[%dma_wait3A_221, %dma_wait3A_225] : memref<18x128xi32, #tpu.memory_space<vmem>> -> memref<1x128xi32, #tpu.memory_space<vmem>>
    %dma_wait3A_227 = tpu.memref_squeeze %dma_wait3A_226 : memref<1x128xi32, #tpu.memory_space<vmem>> -> memref<128xi32, #tpu.memory_space<vmem>>
    %dma_wait3A_228 = arith.constant 0 : i32
    %dma_wait3A_229 = arith.constant 0 : i32
    %dma_wait3A_230 = tpu.memref_slice %arg3[%dma_wait3A_228, %dma_wait3A_229] : memref<8192x32xf32, #tpu.memory_space<hbm>> -> memref<8192x32xf32, #tpu.memory_space<hbm>>
    tpu.wait_indirect_dma semaphore(%arg8 : memref<!tpu.dma_semaphore, #tpu.memory_space<semaphore_mem>>) src(%dma_wait3A_230 : memref<8192x32xf32, #tpu.memory_space<hbm>>) dst(%dma_wait3A_224 : memref<128x32xf32, #tpu.memory_space<vmem>>)
    %dma_wait3A_231 = arith.constant 5 : i32
    %dma_wait3A_232 = arith.constant 640 : i32
    %dma_wait3A_233 = arith.constant 0 : i32
    %dma_wait3A_234 = tpu.memref_slice %arg7[%dma_wait3A_232, %dma_wait3A_233] : memref<2304x32xf32, #tpu.memory_space<vmem>> -> memref<128x32xf32, #tpu.memory_space<vmem>>
    %dma_wait3A_235 = arith.constant 0 : i32
    %dma_wait3A_236 = tpu.memref_slice %arg6[%dma_wait3A_231, %dma_wait3A_235] : memref<18x128xi32, #tpu.memory_space<vmem>> -> memref<1x128xi32, #tpu.memory_space<vmem>>
    %dma_wait3A_237 = tpu.memref_squeeze %dma_wait3A_236 : memref<1x128xi32, #tpu.memory_space<vmem>> -> memref<128xi32, #tpu.memory_space<vmem>>
    %dma_wait3A_238 = arith.constant 0 : i32
    %dma_wait3A_239 = arith.constant 0 : i32
    %dma_wait3A_240 = tpu.memref_slice %arg3[%dma_wait3A_238, %dma_wait3A_239] : memref<8192x32xf32, #tpu.memory_space<hbm>> -> memref<8192x32xf32, #tpu.memory_space<hbm>>
    tpu.wait_indirect_dma semaphore(%arg8 : memref<!tpu.dma_semaphore, #tpu.memory_space<semaphore_mem>>) src(%dma_wait3A_240 : memref<8192x32xf32, #tpu.memory_space<hbm>>) dst(%dma_wait3A_234 : memref<128x32xf32, #tpu.memory_space<vmem>>)
    %dma_wait3A_241 = arith.constant 6 : i32
    %dma_wait3A_242 = arith.constant 768 : i32
    %dma_wait3A_243 = arith.constant 0 : i32
    %dma_wait3A_244 = tpu.memref_slice %arg7[%dma_wait3A_242, %dma_wait3A_243] : memref<2304x32xf32, #tpu.memory_space<vmem>> -> memref<128x32xf32, #tpu.memory_space<vmem>>
    %dma_wait3A_245 = arith.constant 0 : i32
    %dma_wait3A_246 = tpu.memref_slice %arg6[%dma_wait3A_241, %dma_wait3A_245] : memref<18x128xi32, #tpu.memory_space<vmem>> -> memref<1x128xi32, #tpu.memory_space<vmem>>
    %dma_wait3A_247 = tpu.memref_squeeze %dma_wait3A_246 : memref<1x128xi32, #tpu.memory_space<vmem>> -> memref<128xi32, #tpu.memory_space<vmem>>
    %dma_wait3A_248 = arith.constant 0 : i32
    %dma_wait3A_249 = arith.constant 0 : i32
    %dma_wait3A_250 = tpu.memref_slice %arg3[%dma_wait3A_248, %dma_wait3A_249] : memref<8192x32xf32, #tpu.memory_space<hbm>> -> memref<8192x32xf32, #tpu.memory_space<hbm>>
    tpu.wait_indirect_dma semaphore(%arg8 : memref<!tpu.dma_semaphore, #tpu.memory_space<semaphore_mem>>) src(%dma_wait3A_250 : memref<8192x32xf32, #tpu.memory_space<hbm>>) dst(%dma_wait3A_244 : memref<128x32xf32, #tpu.memory_space<vmem>>)
    %dma_wait3A_251 = arith.constant 7 : i32
    %dma_wait3A_252 = arith.constant 896 : i32
    %dma_wait3A_253 = arith.constant 0 : i32
    %dma_wait3A_254 = tpu.memref_slice %arg7[%dma_wait3A_252, %dma_wait3A_253] : memref<2304x32xf32, #tpu.memory_space<vmem>> -> memref<128x32xf32, #tpu.memory_space<vmem>>
    %dma_wait3A_255 = arith.constant 0 : i32
    %dma_wait3A_256 = tpu.memref_slice %arg6[%dma_wait3A_251, %dma_wait3A_255] : memref<18x128xi32, #tpu.memory_space<vmem>> -> memref<1x128xi32, #tpu.memory_space<vmem>>
    %dma_wait3A_257 = tpu.memref_squeeze %dma_wait3A_256 : memref<1x128xi32, #tpu.memory_space<vmem>> -> memref<128xi32, #tpu.memory_space<vmem>>
    %dma_wait3A_258 = arith.constant 0 : i32
    %dma_wait3A_259 = arith.constant 0 : i32
    %dma_wait3A_260 = tpu.memref_slice %arg3[%dma_wait3A_258, %dma_wait3A_259] : memref<8192x32xf32, #tpu.memory_space<hbm>> -> memref<8192x32xf32, #tpu.memory_space<hbm>>
    tpu.wait_indirect_dma semaphore(%arg8 : memref<!tpu.dma_semaphore, #tpu.memory_space<semaphore_mem>>) src(%dma_wait3A_260 : memref<8192x32xf32, #tpu.memory_space<hbm>>) dst(%dma_wait3A_254 : memref<128x32xf32, #tpu.memory_space<vmem>>)
    %dma_wait3A_261 = arith.constant 8 : i32
    %dma_wait3A_262 = arith.constant 1024 : i32
    %dma_wait3A_263 = arith.constant 0 : i32
    %dma_wait3A_264 = tpu.memref_slice %arg7[%dma_wait3A_262, %dma_wait3A_263] : memref<2304x32xf32, #tpu.memory_space<vmem>> -> memref<128x32xf32, #tpu.memory_space<vmem>>
    %dma_wait3A_265 = arith.constant 0 : i32
    %dma_wait3A_266 = tpu.memref_slice %arg6[%dma_wait3A_261, %dma_wait3A_265] : memref<18x128xi32, #tpu.memory_space<vmem>> -> memref<1x128xi32, #tpu.memory_space<vmem>>
    %dma_wait3A_267 = tpu.memref_squeeze %dma_wait3A_266 : memref<1x128xi32, #tpu.memory_space<vmem>> -> memref<128xi32, #tpu.memory_space<vmem>>
    %dma_wait3A_268 = arith.constant 0 : i32
    %dma_wait3A_269 = arith.constant 0 : i32
    %dma_wait3A_270 = tpu.memref_slice %arg3[%dma_wait3A_268, %dma_wait3A_269] : memref<8192x32xf32, #tpu.memory_space<hbm>> -> memref<8192x32xf32, #tpu.memory_space<hbm>>
    tpu.wait_indirect_dma semaphore(%arg8 : memref<!tpu.dma_semaphore, #tpu.memory_space<semaphore_mem>>) src(%dma_wait3A_270 : memref<8192x32xf32, #tpu.memory_space<hbm>>) dst(%dma_wait3A_264 : memref<128x32xf32, #tpu.memory_space<vmem>>)
    %dma_wait3A_271 = arith.constant 9 : i32
    %dma_wait3A_272 = arith.constant 1152 : i32
    %dma_wait3A_273 = arith.constant 0 : i32
    %dma_wait3A_274 = tpu.memref_slice %arg7[%dma_wait3A_272, %dma_wait3A_273] : memref<2304x32xf32, #tpu.memory_space<vmem>> -> memref<128x32xf32, #tpu.memory_space<vmem>>
    %dma_wait3A_275 = arith.constant 0 : i32
    %dma_wait3A_276 = tpu.memref_slice %arg6[%dma_wait3A_271, %dma_wait3A_275] : memref<18x128xi32, #tpu.memory_space<vmem>> -> memref<1x128xi32, #tpu.memory_space<vmem>>
    %dma_wait3A_277 = tpu.memref_squeeze %dma_wait3A_276 : memref<1x128xi32, #tpu.memory_space<vmem>> -> memref<128xi32, #tpu.memory_space<vmem>>
    %dma_wait3A_278 = arith.constant 0 : i32
    %dma_wait3A_279 = arith.constant 0 : i32
    %dma_wait3A_280 = tpu.memref_slice %arg3[%dma_wait3A_278, %dma_wait3A_279] : memref<8192x32xf32, #tpu.memory_space<hbm>> -> memref<8192x32xf32, #tpu.memory_space<hbm>>
    tpu.wait_indirect_dma semaphore(%arg8 : memref<!tpu.dma_semaphore, #tpu.memory_space<semaphore_mem>>) src(%dma_wait3A_280 : memref<8192x32xf32, #tpu.memory_space<hbm>>) dst(%dma_wait3A_274 : memref<128x32xf32, #tpu.memory_space<vmem>>)
    %dma_wait3A_281 = arith.constant 10 : i32
    %dma_wait3A_282 = arith.constant 1280 : i32
    %dma_wait3A_283 = arith.constant 0 : i32
    %dma_wait3A_284 = tpu.memref_slice %arg7[%dma_wait3A_282, %dma_wait3A_283] : memref<2304x32xf32, #tpu.memory_space<vmem>> -> memref<128x32xf32, #tpu.memory_space<vmem>>
    %dma_wait3A_285 = arith.constant 0 : i32
    %dma_wait3A_286 = tpu.memref_slice %arg6[%dma_wait3A_281, %dma_wait3A_285] : memref<18x128xi32, #tpu.memory_space<vmem>> -> memref<1x128xi32, #tpu.memory_space<vmem>>
    %dma_wait3A_287 = tpu.memref_squeeze %dma_wait3A_286 : memref<1x128xi32, #tpu.memory_space<vmem>> -> memref<128xi32, #tpu.memory_space<vmem>>
    %dma_wait3A_288 = arith.constant 0 : i32
    %dma_wait3A_289 = arith.constant 0 : i32
    %dma_wait3A_290 = tpu.memref_slice %arg3[%dma_wait3A_288, %dma_wait3A_289] : memref<8192x32xf32, #tpu.memory_space<hbm>> -> memref<8192x32xf32, #tpu.memory_space<hbm>>
    tpu.wait_indirect_dma semaphore(%arg8 : memref<!tpu.dma_semaphore, #tpu.memory_space<semaphore_mem>>) src(%dma_wait3A_290 : memref<8192x32xf32, #tpu.memory_space<hbm>>) dst(%dma_wait3A_284 : memref<128x32xf32, #tpu.memory_space<vmem>>)
    %dma_wait3A_291 = arith.constant 11 : i32
    %dma_wait3A_292 = arith.constant 1408 : i32
    %dma_wait3A_293 = arith.constant 0 : i32
    %dma_wait3A_294 = tpu.memref_slice %arg7[%dma_wait3A_292, %dma_wait3A_293] : memref<2304x32xf32, #tpu.memory_space<vmem>> -> memref<128x32xf32, #tpu.memory_space<vmem>>
    %dma_wait3A_295 = arith.constant 0 : i32
    %dma_wait3A_296 = tpu.memref_slice %arg6[%dma_wait3A_291, %dma_wait3A_295] : memref<18x128xi32, #tpu.memory_space<vmem>> -> memref<1x128xi32, #tpu.memory_space<vmem>>
    %dma_wait3A_297 = tpu.memref_squeeze %dma_wait3A_296 : memref<1x128xi32, #tpu.memory_space<vmem>> -> memref<128xi32, #tpu.memory_space<vmem>>
    %dma_wait3A_298 = arith.constant 0 : i32
    %dma_wait3A_299 = arith.constant 0 : i32
    %dma_wait3A_300 = tpu.memref_slice %arg3[%dma_wait3A_298, %dma_wait3A_299] : memref<8192x32xf32, #tpu.memory_space<hbm>> -> memref<8192x32xf32, #tpu.memory_space<hbm>>
    tpu.wait_indirect_dma semaphore(%arg8 : memref<!tpu.dma_semaphore, #tpu.memory_space<semaphore_mem>>) src(%dma_wait3A_300 : memref<8192x32xf32, #tpu.memory_space<hbm>>) dst(%dma_wait3A_294 : memref<128x32xf32, #tpu.memory_space<vmem>>)
    %dma_wait3A_301 = arith.constant 12 : i32
    %dma_wait3A_302 = arith.constant 1536 : i32
    %dma_wait3A_303 = arith.constant 0 : i32
    %dma_wait3A_304 = tpu.memref_slice %arg7[%dma_wait3A_302, %dma_wait3A_303] : memref<2304x32xf32, #tpu.memory_space<vmem>> -> memref<128x32xf32, #tpu.memory_space<vmem>>
    %dma_wait3A_305 = arith.constant 0 : i32
    %dma_wait3A_306 = tpu.memref_slice %arg6[%dma_wait3A_301, %dma_wait3A_305] : memref<18x128xi32, #tpu.memory_space<vmem>> -> memref<1x128xi32, #tpu.memory_space<vmem>>
    %dma_wait3A_307 = tpu.memref_squeeze %dma_wait3A_306 : memref<1x128xi32, #tpu.memory_space<vmem>> -> memref<128xi32, #tpu.memory_space<vmem>>
    %dma_wait3A_308 = arith.constant 0 : i32
    %dma_wait3A_309 = arith.constant 0 : i32
    %dma_wait3A_310 = tpu.memref_slice %arg3[%dma_wait3A_308, %dma_wait3A_309] : memref<8192x32xf32, #tpu.memory_space<hbm>> -> memref<8192x32xf32, #tpu.memory_space<hbm>>
    tpu.wait_indirect_dma semaphore(%arg8 : memref<!tpu.dma_semaphore, #tpu.memory_space<semaphore_mem>>) src(%dma_wait3A_310 : memref<8192x32xf32, #tpu.memory_space<hbm>>) dst(%dma_wait3A_304 : memref<128x32xf32, #tpu.memory_space<vmem>>)
    %dma_wait3A_311 = arith.constant 13 : i32
    %dma_wait3A_312 = arith.constant 1664 : i32
    %dma_wait3A_313 = arith.constant 0 : i32
    %dma_wait3A_314 = tpu.memref_slice %arg7[%dma_wait3A_312, %dma_wait3A_313] : memref<2304x32xf32, #tpu.memory_space<vmem>> -> memref<128x32xf32, #tpu.memory_space<vmem>>
    %dma_wait3A_315 = arith.constant 0 : i32
    %dma_wait3A_316 = tpu.memref_slice %arg6[%dma_wait3A_311, %dma_wait3A_315] : memref<18x128xi32, #tpu.memory_space<vmem>> -> memref<1x128xi32, #tpu.memory_space<vmem>>
    %dma_wait3A_317 = tpu.memref_squeeze %dma_wait3A_316 : memref<1x128xi32, #tpu.memory_space<vmem>> -> memref<128xi32, #tpu.memory_space<vmem>>
    %dma_wait3A_318 = arith.constant 0 : i32
    %dma_wait3A_319 = arith.constant 0 : i32
    %dma_wait3A_320 = tpu.memref_slice %arg3[%dma_wait3A_318, %dma_wait3A_319] : memref<8192x32xf32, #tpu.memory_space<hbm>> -> memref<8192x32xf32, #tpu.memory_space<hbm>>
    tpu.wait_indirect_dma semaphore(%arg8 : memref<!tpu.dma_semaphore, #tpu.memory_space<semaphore_mem>>) src(%dma_wait3A_320 : memref<8192x32xf32, #tpu.memory_space<hbm>>) dst(%dma_wait3A_314 : memref<128x32xf32, #tpu.memory_space<vmem>>)
    %dma_wait3A_321 = arith.constant 14 : i32
    %dma_wait3A_322 = arith.constant 1792 : i32
    %dma_wait3A_323 = arith.constant 0 : i32
    %dma_wait3A_324 = tpu.memref_slice %arg7[%dma_wait3A_322, %dma_wait3A_323] : memref<2304x32xf32, #tpu.memory_space<vmem>> -> memref<128x32xf32, #tpu.memory_space<vmem>>
    %dma_wait3A_325 = arith.constant 0 : i32
    %dma_wait3A_326 = tpu.memref_slice %arg6[%dma_wait3A_321, %dma_wait3A_325] : memref<18x128xi32, #tpu.memory_space<vmem>> -> memref<1x128xi32, #tpu.memory_space<vmem>>
    %dma_wait3A_327 = tpu.memref_squeeze %dma_wait3A_326 : memref<1x128xi32, #tpu.memory_space<vmem>> -> memref<128xi32, #tpu.memory_space<vmem>>
    %dma_wait3A_328 = arith.constant 0 : i32
    %dma_wait3A_329 = arith.constant 0 : i32
    %dma_wait3A_330 = tpu.memref_slice %arg3[%dma_wait3A_328, %dma_wait3A_329] : memref<8192x32xf32, #tpu.memory_space<hbm>> -> memref<8192x32xf32, #tpu.memory_space<hbm>>
    tpu.wait_indirect_dma semaphore(%arg8 : memref<!tpu.dma_semaphore, #tpu.memory_space<semaphore_mem>>) src(%dma_wait3A_330 : memref<8192x32xf32, #tpu.memory_space<hbm>>) dst(%dma_wait3A_324 : memref<128x32xf32, #tpu.memory_space<vmem>>)
    %dma_wait3A_331 = arith.constant 15 : i32
    %dma_wait3A_332 = arith.constant 1920 : i32
    %dma_wait3A_333 = arith.constant 0 : i32
    %dma_wait3A_334 = tpu.memref_slice %arg7[%dma_wait3A_332, %dma_wait3A_333] : memref<2304x32xf32, #tpu.memory_space<vmem>> -> memref<128x32xf32, #tpu.memory_space<vmem>>
    %dma_wait3A_335 = arith.constant 0 : i32
    %dma_wait3A_336 = tpu.memref_slice %arg6[%dma_wait3A_331, %dma_wait3A_335] : memref<18x128xi32, #tpu.memory_space<vmem>> -> memref<1x128xi32, #tpu.memory_space<vmem>>
    %dma_wait3A_337 = tpu.memref_squeeze %dma_wait3A_336 : memref<1x128xi32, #tpu.memory_space<vmem>> -> memref<128xi32, #tpu.memory_space<vmem>>
    %dma_wait3A_338 = arith.constant 0 : i32
    %dma_wait3A_339 = arith.constant 0 : i32
    %dma_wait3A_340 = tpu.memref_slice %arg3[%dma_wait3A_338, %dma_wait3A_339] : memref<8192x32xf32, #tpu.memory_space<hbm>> -> memref<8192x32xf32, #tpu.memory_space<hbm>>
    tpu.wait_indirect_dma semaphore(%arg8 : memref<!tpu.dma_semaphore, #tpu.memory_space<semaphore_mem>>) src(%dma_wait3A_340 : memref<8192x32xf32, #tpu.memory_space<hbm>>) dst(%dma_wait3A_334 : memref<128x32xf32, #tpu.memory_space<vmem>>)
    %dma_wait3A_341 = arith.constant 16 : i32
    %dma_wait3A_342 = arith.constant 2048 : i32
    %dma_wait3A_343 = arith.constant 0 : i32
    %dma_wait3A_344 = tpu.memref_slice %arg7[%dma_wait3A_342, %dma_wait3A_343] : memref<2304x32xf32, #tpu.memory_space<vmem>> -> memref<128x32xf32, #tpu.memory_space<vmem>>
    %dma_wait3A_345 = arith.constant 0 : i32
    %dma_wait3A_346 = tpu.memref_slice %arg6[%dma_wait3A_341, %dma_wait3A_345] : memref<18x128xi32, #tpu.memory_space<vmem>> -> memref<1x128xi32, #tpu.memory_space<vmem>>
    %dma_wait3A_347 = tpu.memref_squeeze %dma_wait3A_346 : memref<1x128xi32, #tpu.memory_space<vmem>> -> memref<128xi32, #tpu.memory_space<vmem>>
    %dma_wait3A_348 = arith.constant 0 : i32
    %dma_wait3A_349 = arith.constant 0 : i32
    %dma_wait3A_350 = tpu.memref_slice %arg3[%dma_wait3A_348, %dma_wait3A_349] : memref<8192x32xf32, #tpu.memory_space<hbm>> -> memref<8192x32xf32, #tpu.memory_space<hbm>>
    tpu.wait_indirect_dma semaphore(%arg8 : memref<!tpu.dma_semaphore, #tpu.memory_space<semaphore_mem>>) src(%dma_wait3A_350 : memref<8192x32xf32, #tpu.memory_space<hbm>>) dst(%dma_wait3A_344 : memref<128x32xf32, #tpu.memory_space<vmem>>)
    %dma_wait3A_351 = arith.constant 17 : i32
    %dma_wait3A_352 = arith.constant 2176 : i32
    %dma_wait3A_353 = arith.constant 0 : i32
    %dma_wait3A_354 = tpu.memref_slice %arg7[%dma_wait3A_352, %dma_wait3A_353] : memref<2304x32xf32, #tpu.memory_space<vmem>> -> memref<128x32xf32, #tpu.memory_space<vmem>>
    %dma_wait3A_355 = arith.constant 0 : i32
    %dma_wait3A_356 = tpu.memref_slice %arg6[%dma_wait3A_351, %dma_wait3A_355] : memref<18x128xi32, #tpu.memory_space<vmem>> -> memref<1x128xi32, #tpu.memory_space<vmem>>
    %dma_wait3A_357 = tpu.memref_squeeze %dma_wait3A_356 : memref<1x128xi32, #tpu.memory_space<vmem>> -> memref<128xi32, #tpu.memory_space<vmem>>
    %dma_wait3A_358 = arith.constant 0 : i32
    %dma_wait3A_359 = arith.constant 0 : i32
    %dma_wait3A_360 = tpu.memref_slice %arg3[%dma_wait3A_358, %dma_wait3A_359] : memref<8192x32xf32, #tpu.memory_space<hbm>> -> memref<8192x32xf32, #tpu.memory_space<hbm>>
    tpu.wait_indirect_dma semaphore(%arg8 : memref<!tpu.dma_semaphore, #tpu.memory_space<semaphore_mem>>) src(%dma_wait3A_360 : memref<8192x32xf32, #tpu.memory_space<hbm>>) dst(%dma_wait3A_354 : memref<128x32xf32, #tpu.memory_space<vmem>>)
    %run_scoped3A = arith.constant 0 : i32
    "tpu.region"() ({
      %run_scoped3A_368 = tpu.sem_alloc : memref<!tpu.dma_semaphore, #tpu.memory_space<semaphore_mem>>
      %dma_start3A_369 = arith.constant 0 : i32
      %dma_start3A_370 = arith.constant 0 : i32
      %dma_start3A_371 = tpu.memref_slice %arg7[%dma_start3A_369, %dma_start3A_370] : memref<2304x32xf32, #tpu.memory_space<vmem>> -> memref<288x32xf32, #tpu.memory_space<vmem>>
      %dma_start3A_372 = arith.constant 0 : i32
      %dma_start3A_373 = tpu.memref_slice %arg5[%run_scoped3A, %mul3A_2, %dma_start3A_372] : memref<8x9216x32xf32, #tpu.memory_space<hbm>> -> memref<1x288x32xf32, #tpu.memory_space<hbm>>
      %dma_start3A_374 = tpu.memref_squeeze %dma_start3A_373 : memref<1x288x32xf32, #tpu.memory_space<hbm>> -> memref<288x32xf32, #tpu.memory_space<hbm>>
      %dma_start3A_375 = arith.constant 0 : i32
      %dma_start3A_376 = tpu.memref_slice %arg5[%run_scoped3A, %mul3A_2, %dma_start3A_375] : memref<8x9216x32xf32, #tpu.memory_space<hbm>> -> memref<1x288x32xf32, #tpu.memory_space<hbm>>
      %dma_start3A_377 = tpu.memref_squeeze %dma_start3A_376 : memref<1x288x32xf32, #tpu.memory_space<hbm>> -> memref<288x32xf32, #tpu.memory_space<hbm>>
      %dma_start3A_378 = arith.constant 0 : i32
      %dma_start3A_379 = arith.constant 0 : i32
      %dma_start3A_380 = tpu.memref_slice %arg7[%dma_start3A_378, %dma_start3A_379] : memref<2304x32xf32, #tpu.memory_space<vmem>> -> memref<288x32xf32, #tpu.memory_space<vmem>>
      tpu.enqueue_dma source(%dma_start3A_380 : memref<288x32xf32, #tpu.memory_space<vmem>>) target(%dma_start3A_377 : memref<288x32xf32, #tpu.memory_space<hbm>>) target_semaphore(%run_scoped3A_368 : memref<!tpu.dma_semaphore, #tpu.memory_space<semaphore_mem>>)
      %dma_wait3A_381 = arith.constant 0 : i32
      %dma_wait3A_382 = arith.constant 0 : i32
      %dma_wait3A_383 = tpu.memref_slice %arg7[%dma_wait3A_381, %dma_wait3A_382] : memref<2304x32xf32, #tpu.memory_space<vmem>> -> memref<288x32xf32, #tpu.memory_space<vmem>>
      %dma_wait3A_384 = arith.constant 0 : i32
      %dma_wait3A_385 = tpu.memref_slice %arg5[%run_scoped3A, %mul3A_2, %dma_wait3A_384] : memref<8x9216x32xf32, #tpu.memory_space<hbm>> -> memref<1x288x32xf32, #tpu.memory_space<hbm>>
      %dma_wait3A_386 = tpu.memref_squeeze %dma_wait3A_385 : memref<1x288x32xf32, #tpu.memory_space<hbm>> -> memref<288x32xf32, #tpu.memory_space<hbm>>
      %dma_wait3A_387 = arith.constant 0 : i32
      %dma_wait3A_388 = tpu.memref_slice %arg5[%run_scoped3A, %mul3A_2, %dma_wait3A_387] : memref<8x9216x32xf32, #tpu.memory_space<hbm>> -> memref<1x288x32xf32, #tpu.memory_space<hbm>>
      %dma_wait3A_389 = tpu.memref_squeeze %dma_wait3A_388 : memref<1x288x32xf32, #tpu.memory_space<hbm>> -> memref<288x32xf32, #tpu.memory_space<hbm>>
      %dma_wait3A_390 = arith.constant 0 : i32
      %dma_wait3A_391 = arith.constant 0 : i32
      %dma_wait3A_392 = tpu.memref_slice %arg7[%dma_wait3A_390, %dma_wait3A_391] : memref<2304x32xf32, #tpu.memory_space<vmem>> -> memref<288x32xf32, #tpu.memory_space<vmem>>
      tpu.wait_dma2 semaphore(%run_scoped3A_368 : memref<!tpu.dma_semaphore, #tpu.memory_space<semaphore_mem>>) src(%dma_wait3A_392 : memref<288x32xf32, #tpu.memory_space<vmem>>) dst(%dma_wait3A_389 : memref<288x32xf32, #tpu.memory_space<hbm>>)
      tpu.yield
    }) : () -> ()
    "tpu.region"() ({
      %run_scoped3A_368 = tpu.sem_alloc : memref<!tpu.dma_semaphore, #tpu.memory_space<semaphore_mem>>
      %dma_start3A_369 = arith.constant 0 : i32
      %dma_start3A_370 = arith.constant 0 : i32
      %dma_start3A_371 = tpu.memref_slice %arg7[%dma_start3A_369, %dma_start3A_370] : memref<2304x32xf32, #tpu.memory_space<vmem>> -> memref<288x32xf32, #tpu.memory_space<vmem>>
      %dma_start3A_372 = arith.constant 0 : i32
      %dma_start3A_373 = tpu.memref_slice %arg4[%mul3A_2, %dma_start3A_372] : memref<9216x256xf32, #tpu.memory_space<hbm>> -> memref<288x32xf32, #tpu.memory_space<hbm>>
      %dma_start3A_374 = arith.constant 0 : i32
      %dma_start3A_375 = tpu.memref_slice %arg4[%mul3A_2, %dma_start3A_374] : memref<9216x256xf32, #tpu.memory_space<hbm>> -> memref<288x32xf32, #tpu.memory_space<hbm>>
      %dma_start3A_376 = arith.constant 0 : i32
      %dma_start3A_377 = arith.constant 0 : i32
      %dma_start3A_378 = tpu.memref_slice %arg7[%dma_start3A_376, %dma_start3A_377] : memref<2304x32xf32, #tpu.memory_space<vmem>> -> memref<288x32xf32, #tpu.memory_space<vmem>>
      tpu.enqueue_dma source(%dma_start3A_378 : memref<288x32xf32, #tpu.memory_space<vmem>>) target(%dma_start3A_375 : memref<288x32xf32, #tpu.memory_space<hbm>>) target_semaphore(%run_scoped3A_368 : memref<!tpu.dma_semaphore, #tpu.memory_space<semaphore_mem>>)
      %dma_wait3A_379 = arith.constant 0 : i32
      %dma_wait3A_380 = arith.constant 0 : i32
      %dma_wait3A_381 = tpu.memref_slice %arg7[%dma_wait3A_379, %dma_wait3A_380] : memref<2304x32xf32, #tpu.memory_space<vmem>> -> memref<288x32xf32, #tpu.memory_space<vmem>>
      %dma_wait3A_382 = arith.constant 0 : i32
      %dma_wait3A_383 = tpu.memref_slice %arg4[%mul3A_2, %dma_wait3A_382] : memref<9216x256xf32, #tpu.memory_space<hbm>> -> memref<288x32xf32, #tpu.memory_space<hbm>>
      %dma_wait3A_384 = arith.constant 0 : i32
      %dma_wait3A_385 = tpu.memref_slice %arg4[%mul3A_2, %dma_wait3A_384] : memref<9216x256xf32, #tpu.memory_space<hbm>> -> memref<288x32xf32, #tpu.memory_space<hbm>>
      %dma_wait3A_386 = arith.constant 0 : i32
      %dma_wait3A_387 = arith.constant 0 : i32
      %dma_wait3A_388 = tpu.memref_slice %arg7[%dma_wait3A_386, %dma_wait3A_387] : memref<2304x32xf32, #tpu.memory_space<vmem>> -> memref<288x32xf32, #tpu.memory_space<vmem>>
      tpu.wait_dma2 semaphore(%run_scoped3A_368 : memref<!tpu.dma_semaphore, #tpu.memory_space<semaphore_mem>>) src(%dma_wait3A_388 : memref<288x32xf32, #tpu.memory_space<vmem>>) dst(%dma_wait3A_385 : memref<288x32xf32, #tpu.memory_space<hbm>>)
      tpu.yield
    }) : () -> ()
    %run_scoped3A_361 = arith.constant 1 : i32
    "tpu.region"() ({
      %run_scoped3A_368 = tpu.sem_alloc : memref<!tpu.dma_semaphore, #tpu.memory_space<semaphore_mem>>
      %dma_start3A_369 = arith.constant 288 : i32
      %dma_start3A_370 = arith.constant 0 : i32
      %dma_start3A_371 = tpu.memref_slice %arg7[%dma_start3A_369, %dma_start3A_370] : memref<2304x32xf32, #tpu.memory_space<vmem>> -> memref<288x32xf32, #tpu.memory_space<vmem>>
      %dma_start3A_372 = arith.constant 0 : i32
      %dma_start3A_373 = tpu.memref_slice %arg5[%run_scoped3A_361, %mul3A_2, %dma_start3A_372] : memref<8x9216x32xf32, #tpu.memory_space<hbm>> -> memref<1x288x32xf32, #tpu.memory_space<hbm>>
      %dma_start3A_374 = tpu.memref_squeeze %dma_start3A_373 : memref<1x288x32xf32, #tpu.memory_space<hbm>> -> memref<288x32xf32, #tpu.memory_space<hbm>>
      %dma_start3A_375 = arith.constant 0 : i32
      %dma_start3A_376 = tpu.memref_slice %arg5[%run_scoped3A_361, %mul3A_2, %dma_start3A_375] : memref<8x9216x32xf32, #tpu.memory_space<hbm>> -> memref<1x288x32xf32, #tpu.memory_space<hbm>>
      %dma_start3A_377 = tpu.memref_squeeze %dma_start3A_376 : memref<1x288x32xf32, #tpu.memory_space<hbm>> -> memref<288x32xf32, #tpu.memory_space<hbm>>
      %dma_start3A_378 = arith.constant 288 : i32
      %dma_start3A_379 = arith.constant 0 : i32
      %dma_start3A_380 = tpu.memref_slice %arg7[%dma_start3A_378, %dma_start3A_379] : memref<2304x32xf32, #tpu.memory_space<vmem>> -> memref<288x32xf32, #tpu.memory_space<vmem>>
      tpu.enqueue_dma source(%dma_start3A_380 : memref<288x32xf32, #tpu.memory_space<vmem>>) target(%dma_start3A_377 : memref<288x32xf32, #tpu.memory_space<hbm>>) target_semaphore(%run_scoped3A_368 : memref<!tpu.dma_semaphore, #tpu.memory_space<semaphore_mem>>)
      %dma_wait3A_381 = arith.constant 288 : i32
      %dma_wait3A_382 = arith.constant 0 : i32
      %dma_wait3A_383 = tpu.memref_slice %arg7[%dma_wait3A_381, %dma_wait3A_382] : memref<2304x32xf32, #tpu.memory_space<vmem>> -> memref<288x32xf32, #tpu.memory_space<vmem>>
      %dma_wait3A_384 = arith.constant 0 : i32
      %dma_wait3A_385 = tpu.memref_slice %arg5[%run_scoped3A_361, %mul3A_2, %dma_wait3A_384] : memref<8x9216x32xf32, #tpu.memory_space<hbm>> -> memref<1x288x32xf32, #tpu.memory_space<hbm>>
      %dma_wait3A_386 = tpu.memref_squeeze %dma_wait3A_385 : memref<1x288x32xf32, #tpu.memory_space<hbm>> -> memref<288x32xf32, #tpu.memory_space<hbm>>
      %dma_wait3A_387 = arith.constant 0 : i32
      %dma_wait3A_388 = tpu.memref_slice %arg5[%run_scoped3A_361, %mul3A_2, %dma_wait3A_387] : memref<8x9216x32xf32, #tpu.memory_space<hbm>> -> memref<1x288x32xf32, #tpu.memory_space<hbm>>
      %dma_wait3A_389 = tpu.memref_squeeze %dma_wait3A_388 : memref<1x288x32xf32, #tpu.memory_space<hbm>> -> memref<288x32xf32, #tpu.memory_space<hbm>>
      %dma_wait3A_390 = arith.constant 288 : i32
      %dma_wait3A_391 = arith.constant 0 : i32
      %dma_wait3A_392 = tpu.memref_slice %arg7[%dma_wait3A_390, %dma_wait3A_391] : memref<2304x32xf32, #tpu.memory_space<vmem>> -> memref<288x32xf32, #tpu.memory_space<vmem>>
      tpu.wait_dma2 semaphore(%run_scoped3A_368 : memref<!tpu.dma_semaphore, #tpu.memory_space<semaphore_mem>>) src(%dma_wait3A_392 : memref<288x32xf32, #tpu.memory_space<vmem>>) dst(%dma_wait3A_389 : memref<288x32xf32, #tpu.memory_space<hbm>>)
      tpu.yield
    }) : () -> ()
    "tpu.region"() ({
      %run_scoped3A_368 = tpu.sem_alloc : memref<!tpu.dma_semaphore, #tpu.memory_space<semaphore_mem>>
      %dma_start3A_369 = arith.constant 288 : i32
      %dma_start3A_370 = arith.constant 0 : i32
      %dma_start3A_371 = tpu.memref_slice %arg7[%dma_start3A_369, %dma_start3A_370] : memref<2304x32xf32, #tpu.memory_space<vmem>> -> memref<288x32xf32, #tpu.memory_space<vmem>>
      %dma_start3A_372 = arith.constant 32 : i32
      %dma_start3A_373 = tpu.memref_slice %arg4[%mul3A_2, %dma_start3A_372] : memref<9216x256xf32, #tpu.memory_space<hbm>> -> memref<288x32xf32, #tpu.memory_space<hbm>>
      %dma_start3A_374 = arith.constant 32 : i32
      %dma_start3A_375 = tpu.memref_slice %arg4[%mul3A_2, %dma_start3A_374] : memref<9216x256xf32, #tpu.memory_space<hbm>> -> memref<288x32xf32, #tpu.memory_space<hbm>>
      %dma_start3A_376 = arith.constant 288 : i32
      %dma_start3A_377 = arith.constant 0 : i32
      %dma_start3A_378 = tpu.memref_slice %arg7[%dma_start3A_376, %dma_start3A_377] : memref<2304x32xf32, #tpu.memory_space<vmem>> -> memref<288x32xf32, #tpu.memory_space<vmem>>
      tpu.enqueue_dma source(%dma_start3A_378 : memref<288x32xf32, #tpu.memory_space<vmem>>) target(%dma_start3A_375 : memref<288x32xf32, #tpu.memory_space<hbm>>) target_semaphore(%run_scoped3A_368 : memref<!tpu.dma_semaphore, #tpu.memory_space<semaphore_mem>>)
      %dma_wait3A_379 = arith.constant 288 : i32
      %dma_wait3A_380 = arith.constant 0 : i32
      %dma_wait3A_381 = tpu.memref_slice %arg7[%dma_wait3A_379, %dma_wait3A_380] : memref<2304x32xf32, #tpu.memory_space<vmem>> -> memref<288x32xf32, #tpu.memory_space<vmem>>
      %dma_wait3A_382 = arith.constant 32 : i32
      %dma_wait3A_383 = tpu.memref_slice %arg4[%mul3A_2, %dma_wait3A_382] : memref<9216x256xf32, #tpu.memory_space<hbm>> -> memref<288x32xf32, #tpu.memory_space<hbm>>
      %dma_wait3A_384 = arith.constant 32 : i32
      %dma_wait3A_385 = tpu.memref_slice %arg4[%mul3A_2, %dma_wait3A_384] : memref<9216x256xf32, #tpu.memory_space<hbm>> -> memref<288x32xf32, #tpu.memory_space<hbm>>
      %dma_wait3A_386 = arith.constant 288 : i32
      %dma_wait3A_387 = arith.constant 0 : i32
      %dma_wait3A_388 = tpu.memref_slice %arg7[%dma_wait3A_386, %dma_wait3A_387] : memref<2304x32xf32, #tpu.memory_space<vmem>> -> memref<288x32xf32, #tpu.memory_space<vmem>>
      tpu.wait_dma2 semaphore(%run_scoped3A_368 : memref<!tpu.dma_semaphore, #tpu.memory_space<semaphore_mem>>) src(%dma_wait3A_388 : memref<288x32xf32, #tpu.memory_space<vmem>>) dst(%dma_wait3A_385 : memref<288x32xf32, #tpu.memory_space<hbm>>)
      tpu.yield
    }) : () -> ()
    %run_scoped3A_362 = arith.constant 2 : i32
    "tpu.region"() ({
      %run_scoped3A_368 = tpu.sem_alloc : memref<!tpu.dma_semaphore, #tpu.memory_space<semaphore_mem>>
      %dma_start3A_369 = arith.constant 576 : i32
      %dma_start3A_370 = arith.constant 0 : i32
      %dma_start3A_371 = tpu.memref_slice %arg7[%dma_start3A_369, %dma_start3A_370] : memref<2304x32xf32, #tpu.memory_space<vmem>> -> memref<288x32xf32, #tpu.memory_space<vmem>>
      %dma_start3A_372 = arith.constant 0 : i32
      %dma_start3A_373 = tpu.memref_slice %arg5[%run_scoped3A_362, %mul3A_2, %dma_start3A_372] : memref<8x9216x32xf32, #tpu.memory_space<hbm>> -> memref<1x288x32xf32, #tpu.memory_space<hbm>>
      %dma_start3A_374 = tpu.memref_squeeze %dma_start3A_373 : memref<1x288x32xf32, #tpu.memory_space<hbm>> -> memref<288x32xf32, #tpu.memory_space<hbm>>
      %dma_start3A_375 = arith.constant 0 : i32
      %dma_start3A_376 = tpu.memref_slice %arg5[%run_scoped3A_362, %mul3A_2, %dma_start3A_375] : memref<8x9216x32xf32, #tpu.memory_space<hbm>> -> memref<1x288x32xf32, #tpu.memory_space<hbm>>
      %dma_start3A_377 = tpu.memref_squeeze %dma_start3A_376 : memref<1x288x32xf32, #tpu.memory_space<hbm>> -> memref<288x32xf32, #tpu.memory_space<hbm>>
      %dma_start3A_378 = arith.constant 576 : i32
      %dma_start3A_379 = arith.constant 0 : i32
      %dma_start3A_380 = tpu.memref_slice %arg7[%dma_start3A_378, %dma_start3A_379] : memref<2304x32xf32, #tpu.memory_space<vmem>> -> memref<288x32xf32, #tpu.memory_space<vmem>>
      tpu.enqueue_dma source(%dma_start3A_380 : memref<288x32xf32, #tpu.memory_space<vmem>>) target(%dma_start3A_377 : memref<288x32xf32, #tpu.memory_space<hbm>>) target_semaphore(%run_scoped3A_368 : memref<!tpu.dma_semaphore, #tpu.memory_space<semaphore_mem>>)
      %dma_wait3A_381 = arith.constant 576 : i32
      %dma_wait3A_382 = arith.constant 0 : i32
      %dma_wait3A_383 = tpu.memref_slice %arg7[%dma_wait3A_381, %dma_wait3A_382] : memref<2304x32xf32, #tpu.memory_space<vmem>> -> memref<288x32xf32, #tpu.memory_space<vmem>>
      %dma_wait3A_384 = arith.constant 0 : i32
      %dma_wait3A_385 = tpu.memref_slice %arg5[%run_scoped3A_362, %mul3A_2, %dma_wait3A_384] : memref<8x9216x32xf32, #tpu.memory_space<hbm>> -> memref<1x288x32xf32, #tpu.memory_space<hbm>>
      %dma_wait3A_386 = tpu.memref_squeeze %dma_wait3A_385 : memref<1x288x32xf32, #tpu.memory_space<hbm>> -> memref<288x32xf32, #tpu.memory_space<hbm>>
      %dma_wait3A_387 = arith.constant 0 : i32
      %dma_wait3A_388 = tpu.memref_slice %arg5[%run_scoped3A_362, %mul3A_2, %dma_wait3A_387] : memref<8x9216x32xf32, #tpu.memory_space<hbm>> -> memref<1x288x32xf32, #tpu.memory_space<hbm>>
      %dma_wait3A_389 = tpu.memref_squeeze %dma_wait3A_388 : memref<1x288x32xf32, #tpu.memory_space<hbm>> -> memref<288x32xf32, #tpu.memory_space<hbm>>
      %dma_wait3A_390 = arith.constant 576 : i32
      %dma_wait3A_391 = arith.constant 0 : i32
      %dma_wait3A_392 = tpu.memref_slice %arg7[%dma_wait3A_390, %dma_wait3A_391] : memref<2304x32xf32, #tpu.memory_space<vmem>> -> memref<288x32xf32, #tpu.memory_space<vmem>>
      tpu.wait_dma2 semaphore(%run_scoped3A_368 : memref<!tpu.dma_semaphore, #tpu.memory_space<semaphore_mem>>) src(%dma_wait3A_392 : memref<288x32xf32, #tpu.memory_space<vmem>>) dst(%dma_wait3A_389 : memref<288x32xf32, #tpu.memory_space<hbm>>)
      tpu.yield
    }) : () -> ()
    "tpu.region"() ({
      %run_scoped3A_368 = tpu.sem_alloc : memref<!tpu.dma_semaphore, #tpu.memory_space<semaphore_mem>>
      %dma_start3A_369 = arith.constant 576 : i32
      %dma_start3A_370 = arith.constant 0 : i32
      %dma_start3A_371 = tpu.memref_slice %arg7[%dma_start3A_369, %dma_start3A_370] : memref<2304x32xf32, #tpu.memory_space<vmem>> -> memref<288x32xf32, #tpu.memory_space<vmem>>
      %dma_start3A_372 = arith.constant 64 : i32
      %dma_start3A_373 = tpu.memref_slice %arg4[%mul3A_2, %dma_start3A_372] : memref<9216x256xf32, #tpu.memory_space<hbm>> -> memref<288x32xf32, #tpu.memory_space<hbm>>
      %dma_start3A_374 = arith.constant 64 : i32
      %dma_start3A_375 = tpu.memref_slice %arg4[%mul3A_2, %dma_start3A_374] : memref<9216x256xf32, #tpu.memory_space<hbm>> -> memref<288x32xf32, #tpu.memory_space<hbm>>
      %dma_start3A_376 = arith.constant 576 : i32
      %dma_start3A_377 = arith.constant 0 : i32
      %dma_start3A_378 = tpu.memref_slice %arg7[%dma_start3A_376, %dma_start3A_377] : memref<2304x32xf32, #tpu.memory_space<vmem>> -> memref<288x32xf32, #tpu.memory_space<vmem>>
      tpu.enqueue_dma source(%dma_start3A_378 : memref<288x32xf32, #tpu.memory_space<vmem>>) target(%dma_start3A_375 : memref<288x32xf32, #tpu.memory_space<hbm>>) target_semaphore(%run_scoped3A_368 : memref<!tpu.dma_semaphore, #tpu.memory_space<semaphore_mem>>)
      %dma_wait3A_379 = arith.constant 576 : i32
      %dma_wait3A_380 = arith.constant 0 : i32
      %dma_wait3A_381 = tpu.memref_slice %arg7[%dma_wait3A_379, %dma_wait3A_380] : memref<2304x32xf32, #tpu.memory_space<vmem>> -> memref<288x32xf32, #tpu.memory_space<vmem>>
      %dma_wait3A_382 = arith.constant 64 : i32
      %dma_wait3A_383 = tpu.memref_slice %arg4[%mul3A_2, %dma_wait3A_382] : memref<9216x256xf32, #tpu.memory_space<hbm>> -> memref<288x32xf32, #tpu.memory_space<hbm>>
      %dma_wait3A_384 = arith.constant 64 : i32
      %dma_wait3A_385 = tpu.memref_slice %arg4[%mul3A_2, %dma_wait3A_384] : memref<9216x256xf32, #tpu.memory_space<hbm>> -> memref<288x32xf32, #tpu.memory_space<hbm>>
      %dma_wait3A_386 = arith.constant 576 : i32
      %dma_wait3A_387 = arith.constant 0 : i32
      %dma_wait3A_388 = tpu.memref_slice %arg7[%dma_wait3A_386, %dma_wait3A_387] : memref<2304x32xf32, #tpu.memory_space<vmem>> -> memref<288x32xf32, #tpu.memory_space<vmem>>
      tpu.wait_dma2 semaphore(%run_scoped3A_368 : memref<!tpu.dma_semaphore, #tpu.memory_space<semaphore_mem>>) src(%dma_wait3A_388 : memref<288x32xf32, #tpu.memory_space<vmem>>) dst(%dma_wait3A_385 : memref<288x32xf32, #tpu.memory_space<hbm>>)
      tpu.yield
    }) : () -> ()
    %run_scoped3A_363 = arith.constant 3 : i32
    "tpu.region"() ({
      %run_scoped3A_368 = tpu.sem_alloc : memref<!tpu.dma_semaphore, #tpu.memory_space<semaphore_mem>>
      %dma_start3A_369 = arith.constant 864 : i32
      %dma_start3A_370 = arith.constant 0 : i32
      %dma_start3A_371 = tpu.memref_slice %arg7[%dma_start3A_369, %dma_start3A_370] : memref<2304x32xf32, #tpu.memory_space<vmem>> -> memref<288x32xf32, #tpu.memory_space<vmem>>
      %dma_start3A_372 = arith.constant 0 : i32
      %dma_start3A_373 = tpu.memref_slice %arg5[%run_scoped3A_363, %mul3A_2, %dma_start3A_372] : memref<8x9216x32xf32, #tpu.memory_space<hbm>> -> memref<1x288x32xf32, #tpu.memory_space<hbm>>
      %dma_start3A_374 = tpu.memref_squeeze %dma_start3A_373 : memref<1x288x32xf32, #tpu.memory_space<hbm>> -> memref<288x32xf32, #tpu.memory_space<hbm>>
      %dma_start3A_375 = arith.constant 0 : i32
      %dma_start3A_376 = tpu.memref_slice %arg5[%run_scoped3A_363, %mul3A_2, %dma_start3A_375] : memref<8x9216x32xf32, #tpu.memory_space<hbm>> -> memref<1x288x32xf32, #tpu.memory_space<hbm>>
      %dma_start3A_377 = tpu.memref_squeeze %dma_start3A_376 : memref<1x288x32xf32, #tpu.memory_space<hbm>> -> memref<288x32xf32, #tpu.memory_space<hbm>>
      %dma_start3A_378 = arith.constant 864 : i32
      %dma_start3A_379 = arith.constant 0 : i32
      %dma_start3A_380 = tpu.memref_slice %arg7[%dma_start3A_378, %dma_start3A_379] : memref<2304x32xf32, #tpu.memory_space<vmem>> -> memref<288x32xf32, #tpu.memory_space<vmem>>
      tpu.enqueue_dma source(%dma_start3A_380 : memref<288x32xf32, #tpu.memory_space<vmem>>) target(%dma_start3A_377 : memref<288x32xf32, #tpu.memory_space<hbm>>) target_semaphore(%run_scoped3A_368 : memref<!tpu.dma_semaphore, #tpu.memory_space<semaphore_mem>>)
      %dma_wait3A_381 = arith.constant 864 : i32
      %dma_wait3A_382 = arith.constant 0 : i32
      %dma_wait3A_383 = tpu.memref_slice %arg7[%dma_wait3A_381, %dma_wait3A_382] : memref<2304x32xf32, #tpu.memory_space<vmem>> -> memref<288x32xf32, #tpu.memory_space<vmem>>
      %dma_wait3A_384 = arith.constant 0 : i32
      %dma_wait3A_385 = tpu.memref_slice %arg5[%run_scoped3A_363, %mul3A_2, %dma_wait3A_384] : memref<8x9216x32xf32, #tpu.memory_space<hbm>> -> memref<1x288x32xf32, #tpu.memory_space<hbm>>
      %dma_wait3A_386 = tpu.memref_squeeze %dma_wait3A_385 : memref<1x288x32xf32, #tpu.memory_space<hbm>> -> memref<288x32xf32, #tpu.memory_space<hbm>>
      %dma_wait3A_387 = arith.constant 0 : i32
      %dma_wait3A_388 = tpu.memref_slice %arg5[%run_scoped3A_363, %mul3A_2, %dma_wait3A_387] : memref<8x9216x32xf32, #tpu.memory_space<hbm>> -> memref<1x288x32xf32, #tpu.memory_space<hbm>>
      %dma_wait3A_389 = tpu.memref_squeeze %dma_wait3A_388 : memref<1x288x32xf32, #tpu.memory_space<hbm>> -> memref<288x32xf32, #tpu.memory_space<hbm>>
      %dma_wait3A_390 = arith.constant 864 : i32
      %dma_wait3A_391 = arith.constant 0 : i32
      %dma_wait3A_392 = tpu.memref_slice %arg7[%dma_wait3A_390, %dma_wait3A_391] : memref<2304x32xf32, #tpu.memory_space<vmem>> -> memref<288x32xf32, #tpu.memory_space<vmem>>
      tpu.wait_dma2 semaphore(%run_scoped3A_368 : memref<!tpu.dma_semaphore, #tpu.memory_space<semaphore_mem>>) src(%dma_wait3A_392 : memref<288x32xf32, #tpu.memory_space<vmem>>) dst(%dma_wait3A_389 : memref<288x32xf32, #tpu.memory_space<hbm>>)
      tpu.yield
    }) : () -> ()
    "tpu.region"() ({
      %run_scoped3A_368 = tpu.sem_alloc : memref<!tpu.dma_semaphore, #tpu.memory_space<semaphore_mem>>
      %dma_start3A_369 = arith.constant 864 : i32
      %dma_start3A_370 = arith.constant 0 : i32
      %dma_start3A_371 = tpu.memref_slice %arg7[%dma_start3A_369, %dma_start3A_370] : memref<2304x32xf32, #tpu.memory_space<vmem>> -> memref<288x32xf32, #tpu.memory_space<vmem>>
      %dma_start3A_372 = arith.constant 96 : i32
      %dma_start3A_373 = tpu.memref_slice %arg4[%mul3A_2, %dma_start3A_372] : memref<9216x256xf32, #tpu.memory_space<hbm>> -> memref<288x32xf32, #tpu.memory_space<hbm>>
      %dma_start3A_374 = arith.constant 96 : i32
      %dma_start3A_375 = tpu.memref_slice %arg4[%mul3A_2, %dma_start3A_374] : memref<9216x256xf32, #tpu.memory_space<hbm>> -> memref<288x32xf32, #tpu.memory_space<hbm>>
      %dma_start3A_376 = arith.constant 864 : i32
      %dma_start3A_377 = arith.constant 0 : i32
      %dma_start3A_378 = tpu.memref_slice %arg7[%dma_start3A_376, %dma_start3A_377] : memref<2304x32xf32, #tpu.memory_space<vmem>> -> memref<288x32xf32, #tpu.memory_space<vmem>>
      tpu.enqueue_dma source(%dma_start3A_378 : memref<288x32xf32, #tpu.memory_space<vmem>>) target(%dma_start3A_375 : memref<288x32xf32, #tpu.memory_space<hbm>>) target_semaphore(%run_scoped3A_368 : memref<!tpu.dma_semaphore, #tpu.memory_space<semaphore_mem>>)
      %dma_wait3A_379 = arith.constant 864 : i32
      %dma_wait3A_380 = arith.constant 0 : i32
      %dma_wait3A_381 = tpu.memref_slice %arg7[%dma_wait3A_379, %dma_wait3A_380] : memref<2304x32xf32, #tpu.memory_space<vmem>> -> memref<288x32xf32, #tpu.memory_space<vmem>>
      %dma_wait3A_382 = arith.constant 96 : i32
      %dma_wait3A_383 = tpu.memref_slice %arg4[%mul3A_2, %dma_wait3A_382] : memref<9216x256xf32, #tpu.memory_space<hbm>> -> memref<288x32xf32, #tpu.memory_space<hbm>>
      %dma_wait3A_384 = arith.constant 96 : i32
      %dma_wait3A_385 = tpu.memref_slice %arg4[%mul3A_2, %dma_wait3A_384] : memref<9216x256xf32, #tpu.memory_space<hbm>> -> memref<288x32xf32, #tpu.memory_space<hbm>>
      %dma_wait3A_386 = arith.constant 864 : i32
      %dma_wait3A_387 = arith.constant 0 : i32
      %dma_wait3A_388 = tpu.memref_slice %arg7[%dma_wait3A_386, %dma_wait3A_387] : memref<2304x32xf32, #tpu.memory_space<vmem>> -> memref<288x32xf32, #tpu.memory_space<vmem>>
      tpu.wait_dma2 semaphore(%run_scoped3A_368 : memref<!tpu.dma_semaphore, #tpu.memory_space<semaphore_mem>>) src(%dma_wait3A_388 : memref<288x32xf32, #tpu.memory_space<vmem>>) dst(%dma_wait3A_385 : memref<288x32xf32, #tpu.memory_space<hbm>>)
      tpu.yield
    }) : () -> ()
    %run_scoped3A_364 = arith.constant 4 : i32
    "tpu.region"() ({
      %run_scoped3A_368 = tpu.sem_alloc : memref<!tpu.dma_semaphore, #tpu.memory_space<semaphore_mem>>
      %dma_start3A_369 = arith.constant 1152 : i32
      %dma_start3A_370 = arith.constant 0 : i32
      %dma_start3A_371 = tpu.memref_slice %arg7[%dma_start3A_369, %dma_start3A_370] : memref<2304x32xf32, #tpu.memory_space<vmem>> -> memref<288x32xf32, #tpu.memory_space<vmem>>
      %dma_start3A_372 = arith.constant 0 : i32
      %dma_start3A_373 = tpu.memref_slice %arg5[%run_scoped3A_364, %mul3A_2, %dma_start3A_372] : memref<8x9216x32xf32, #tpu.memory_space<hbm>> -> memref<1x288x32xf32, #tpu.memory_space<hbm>>
      %dma_start3A_374 = tpu.memref_squeeze %dma_start3A_373 : memref<1x288x32xf32, #tpu.memory_space<hbm>> -> memref<288x32xf32, #tpu.memory_space<hbm>>
      %dma_start3A_375 = arith.constant 0 : i32
      %dma_start3A_376 = tpu.memref_slice %arg5[%run_scoped3A_364, %mul3A_2, %dma_start3A_375] : memref<8x9216x32xf32, #tpu.memory_space<hbm>> -> memref<1x288x32xf32, #tpu.memory_space<hbm>>
      %dma_start3A_377 = tpu.memref_squeeze %dma_start3A_376 : memref<1x288x32xf32, #tpu.memory_space<hbm>> -> memref<288x32xf32, #tpu.memory_space<hbm>>
      %dma_start3A_378 = arith.constant 1152 : i32
      %dma_start3A_379 = arith.constant 0 : i32
      %dma_start3A_380 = tpu.memref_slice %arg7[%dma_start3A_378, %dma_start3A_379] : memref<2304x32xf32, #tpu.memory_space<vmem>> -> memref<288x32xf32, #tpu.memory_space<vmem>>
      tpu.enqueue_dma source(%dma_start3A_380 : memref<288x32xf32, #tpu.memory_space<vmem>>) target(%dma_start3A_377 : memref<288x32xf32, #tpu.memory_space<hbm>>) target_semaphore(%run_scoped3A_368 : memref<!tpu.dma_semaphore, #tpu.memory_space<semaphore_mem>>)
      %dma_wait3A_381 = arith.constant 1152 : i32
      %dma_wait3A_382 = arith.constant 0 : i32
      %dma_wait3A_383 = tpu.memref_slice %arg7[%dma_wait3A_381, %dma_wait3A_382] : memref<2304x32xf32, #tpu.memory_space<vmem>> -> memref<288x32xf32, #tpu.memory_space<vmem>>
      %dma_wait3A_384 = arith.constant 0 : i32
      %dma_wait3A_385 = tpu.memref_slice %arg5[%run_scoped3A_364, %mul3A_2, %dma_wait3A_384] : memref<8x9216x32xf32, #tpu.memory_space<hbm>> -> memref<1x288x32xf32, #tpu.memory_space<hbm>>
      %dma_wait3A_386 = tpu.memref_squeeze %dma_wait3A_385 : memref<1x288x32xf32, #tpu.memory_space<hbm>> -> memref<288x32xf32, #tpu.memory_space<hbm>>
      %dma_wait3A_387 = arith.constant 0 : i32
      %dma_wait3A_388 = tpu.memref_slice %arg5[%run_scoped3A_364, %mul3A_2, %dma_wait3A_387] : memref<8x9216x32xf32, #tpu.memory_space<hbm>> -> memref<1x288x32xf32, #tpu.memory_space<hbm>>
      %dma_wait3A_389 = tpu.memref_squeeze %dma_wait3A_388 : memref<1x288x32xf32, #tpu.memory_space<hbm>> -> memref<288x32xf32, #tpu.memory_space<hbm>>
      %dma_wait3A_390 = arith.constant 1152 : i32
      %dma_wait3A_391 = arith.constant 0 : i32
      %dma_wait3A_392 = tpu.memref_slice %arg7[%dma_wait3A_390, %dma_wait3A_391] : memref<2304x32xf32, #tpu.memory_space<vmem>> -> memref<288x32xf32, #tpu.memory_space<vmem>>
      tpu.wait_dma2 semaphore(%run_scoped3A_368 : memref<!tpu.dma_semaphore, #tpu.memory_space<semaphore_mem>>) src(%dma_wait3A_392 : memref<288x32xf32, #tpu.memory_space<vmem>>) dst(%dma_wait3A_389 : memref<288x32xf32, #tpu.memory_space<hbm>>)
      tpu.yield
    }) : () -> ()
    "tpu.region"() ({
      %run_scoped3A_368 = tpu.sem_alloc : memref<!tpu.dma_semaphore, #tpu.memory_space<semaphore_mem>>
      %dma_start3A_369 = arith.constant 1152 : i32
      %dma_start3A_370 = arith.constant 0 : i32
      %dma_start3A_371 = tpu.memref_slice %arg7[%dma_start3A_369, %dma_start3A_370] : memref<2304x32xf32, #tpu.memory_space<vmem>> -> memref<288x32xf32, #tpu.memory_space<vmem>>
      %dma_start3A_372 = arith.constant 128 : i32
      %dma_start3A_373 = tpu.memref_slice %arg4[%mul3A_2, %dma_start3A_372] : memref<9216x256xf32, #tpu.memory_space<hbm>> -> memref<288x32xf32, #tpu.memory_space<hbm>>
      %dma_start3A_374 = arith.constant 128 : i32
      %dma_start3A_375 = tpu.memref_slice %arg4[%mul3A_2, %dma_start3A_374] : memref<9216x256xf32, #tpu.memory_space<hbm>> -> memref<288x32xf32, #tpu.memory_space<hbm>>
      %dma_start3A_376 = arith.constant 1152 : i32
      %dma_start3A_377 = arith.constant 0 : i32
      %dma_start3A_378 = tpu.memref_slice %arg7[%dma_start3A_376, %dma_start3A_377] : memref<2304x32xf32, #tpu.memory_space<vmem>> -> memref<288x32xf32, #tpu.memory_space<vmem>>
      tpu.enqueue_dma source(%dma_start3A_378 : memref<288x32xf32, #tpu.memory_space<vmem>>) target(%dma_start3A_375 : memref<288x32xf32, #tpu.memory_space<hbm>>) target_semaphore(%run_scoped3A_368 : memref<!tpu.dma_semaphore, #tpu.memory_space<semaphore_mem>>)
      %dma_wait3A_379 = arith.constant 1152 : i32
      %dma_wait3A_380 = arith.constant 0 : i32
      %dma_wait3A_381 = tpu.memref_slice %arg7[%dma_wait3A_379, %dma_wait3A_380] : memref<2304x32xf32, #tpu.memory_space<vmem>> -> memref<288x32xf32, #tpu.memory_space<vmem>>
      %dma_wait3A_382 = arith.constant 128 : i32
      %dma_wait3A_383 = tpu.memref_slice %arg4[%mul3A_2, %dma_wait3A_382] : memref<9216x256xf32, #tpu.memory_space<hbm>> -> memref<288x32xf32, #tpu.memory_space<hbm>>
      %dma_wait3A_384 = arith.constant 128 : i32
      %dma_wait3A_385 = tpu.memref_slice %arg4[%mul3A_2, %dma_wait3A_384] : memref<9216x256xf32, #tpu.memory_space<hbm>> -> memref<288x32xf32, #tpu.memory_space<hbm>>
      %dma_wait3A_386 = arith.constant 1152 : i32
      %dma_wait3A_387 = arith.constant 0 : i32
      %dma_wait3A_388 = tpu.memref_slice %arg7[%dma_wait3A_386, %dma_wait3A_387] : memref<2304x32xf32, #tpu.memory_space<vmem>> -> memref<288x32xf32, #tpu.memory_space<vmem>>
      tpu.wait_dma2 semaphore(%run_scoped3A_368 : memref<!tpu.dma_semaphore, #tpu.memory_space<semaphore_mem>>) src(%dma_wait3A_388 : memref<288x32xf32, #tpu.memory_space<vmem>>) dst(%dma_wait3A_385 : memref<288x32xf32, #tpu.memory_space<hbm>>)
      tpu.yield
    }) : () -> ()
    %run_scoped3A_365 = arith.constant 5 : i32
    "tpu.region"() ({
      %run_scoped3A_368 = tpu.sem_alloc : memref<!tpu.dma_semaphore, #tpu.memory_space<semaphore_mem>>
      %dma_start3A_369 = arith.constant 1440 : i32
      %dma_start3A_370 = arith.constant 0 : i32
      %dma_start3A_371 = tpu.memref_slice %arg7[%dma_start3A_369, %dma_start3A_370] : memref<2304x32xf32, #tpu.memory_space<vmem>> -> memref<288x32xf32, #tpu.memory_space<vmem>>
      %dma_start3A_372 = arith.constant 0 : i32
      %dma_start3A_373 = tpu.memref_slice %arg5[%run_scoped3A_365, %mul3A_2, %dma_start3A_372] : memref<8x9216x32xf32, #tpu.memory_space<hbm>> -> memref<1x288x32xf32, #tpu.memory_space<hbm>>
      %dma_start3A_374 = tpu.memref_squeeze %dma_start3A_373 : memref<1x288x32xf32, #tpu.memory_space<hbm>> -> memref<288x32xf32, #tpu.memory_space<hbm>>
      %dma_start3A_375 = arith.constant 0 : i32
      %dma_start3A_376 = tpu.memref_slice %arg5[%run_scoped3A_365, %mul3A_2, %dma_start3A_375] : memref<8x9216x32xf32, #tpu.memory_space<hbm>> -> memref<1x288x32xf32, #tpu.memory_space<hbm>>
      %dma_start3A_377 = tpu.memref_squeeze %dma_start3A_376 : memref<1x288x32xf32, #tpu.memory_space<hbm>> -> memref<288x32xf32, #tpu.memory_space<hbm>>
      %dma_start3A_378 = arith.constant 1440 : i32
      %dma_start3A_379 = arith.constant 0 : i32
      %dma_start3A_380 = tpu.memref_slice %arg7[%dma_start3A_378, %dma_start3A_379] : memref<2304x32xf32, #tpu.memory_space<vmem>> -> memref<288x32xf32, #tpu.memory_space<vmem>>
      tpu.enqueue_dma source(%dma_start3A_380 : memref<288x32xf32, #tpu.memory_space<vmem>>) target(%dma_start3A_377 : memref<288x32xf32, #tpu.memory_space<hbm>>) target_semaphore(%run_scoped3A_368 : memref<!tpu.dma_semaphore, #tpu.memory_space<semaphore_mem>>)
      %dma_wait3A_381 = arith.constant 1440 : i32
      %dma_wait3A_382 = arith.constant 0 : i32
      %dma_wait3A_383 = tpu.memref_slice %arg7[%dma_wait3A_381, %dma_wait3A_382] : memref<2304x32xf32, #tpu.memory_space<vmem>> -> memref<288x32xf32, #tpu.memory_space<vmem>>
      %dma_wait3A_384 = arith.constant 0 : i32
      %dma_wait3A_385 = tpu.memref_slice %arg5[%run_scoped3A_365, %mul3A_2, %dma_wait3A_384] : memref<8x9216x32xf32, #tpu.memory_space<hbm>> -> memref<1x288x32xf32, #tpu.memory_space<hbm>>
      %dma_wait3A_386 = tpu.memref_squeeze %dma_wait3A_385 : memref<1x288x32xf32, #tpu.memory_space<hbm>> -> memref<288x32xf32, #tpu.memory_space<hbm>>
      %dma_wait3A_387 = arith.constant 0 : i32
      %dma_wait3A_388 = tpu.memref_slice %arg5[%run_scoped3A_365, %mul3A_2, %dma_wait3A_387] : memref<8x9216x32xf32, #tpu.memory_space<hbm>> -> memref<1x288x32xf32, #tpu.memory_space<hbm>>
      %dma_wait3A_389 = tpu.memref_squeeze %dma_wait3A_388 : memref<1x288x32xf32, #tpu.memory_space<hbm>> -> memref<288x32xf32, #tpu.memory_space<hbm>>
      %dma_wait3A_390 = arith.constant 1440 : i32
      %dma_wait3A_391 = arith.constant 0 : i32
      %dma_wait3A_392 = tpu.memref_slice %arg7[%dma_wait3A_390, %dma_wait3A_391] : memref<2304x32xf32, #tpu.memory_space<vmem>> -> memref<288x32xf32, #tpu.memory_space<vmem>>
      tpu.wait_dma2 semaphore(%run_scoped3A_368 : memref<!tpu.dma_semaphore, #tpu.memory_space<semaphore_mem>>) src(%dma_wait3A_392 : memref<288x32xf32, #tpu.memory_space<vmem>>) dst(%dma_wait3A_389 : memref<288x32xf32, #tpu.memory_space<hbm>>)
      tpu.yield
    }) : () -> ()
    "tpu.region"() ({
      %run_scoped3A_368 = tpu.sem_alloc : memref<!tpu.dma_semaphore, #tpu.memory_space<semaphore_mem>>
      %dma_start3A_369 = arith.constant 1440 : i32
      %dma_start3A_370 = arith.constant 0 : i32
      %dma_start3A_371 = tpu.memref_slice %arg7[%dma_start3A_369, %dma_start3A_370] : memref<2304x32xf32, #tpu.memory_space<vmem>> -> memref<288x32xf32, #tpu.memory_space<vmem>>
      %dma_start3A_372 = arith.constant 160 : i32
      %dma_start3A_373 = tpu.memref_slice %arg4[%mul3A_2, %dma_start3A_372] : memref<9216x256xf32, #tpu.memory_space<hbm>> -> memref<288x32xf32, #tpu.memory_space<hbm>>
      %dma_start3A_374 = arith.constant 160 : i32
      %dma_start3A_375 = tpu.memref_slice %arg4[%mul3A_2, %dma_start3A_374] : memref<9216x256xf32, #tpu.memory_space<hbm>> -> memref<288x32xf32, #tpu.memory_space<hbm>>
      %dma_start3A_376 = arith.constant 1440 : i32
      %dma_start3A_377 = arith.constant 0 : i32
      %dma_start3A_378 = tpu.memref_slice %arg7[%dma_start3A_376, %dma_start3A_377] : memref<2304x32xf32, #tpu.memory_space<vmem>> -> memref<288x32xf32, #tpu.memory_space<vmem>>
      tpu.enqueue_dma source(%dma_start3A_378 : memref<288x32xf32, #tpu.memory_space<vmem>>) target(%dma_start3A_375 : memref<288x32xf32, #tpu.memory_space<hbm>>) target_semaphore(%run_scoped3A_368 : memref<!tpu.dma_semaphore, #tpu.memory_space<semaphore_mem>>)
      %dma_wait3A_379 = arith.constant 1440 : i32
      %dma_wait3A_380 = arith.constant 0 : i32
      %dma_wait3A_381 = tpu.memref_slice %arg7[%dma_wait3A_379, %dma_wait3A_380] : memref<2304x32xf32, #tpu.memory_space<vmem>> -> memref<288x32xf32, #tpu.memory_space<vmem>>
      %dma_wait3A_382 = arith.constant 160 : i32
      %dma_wait3A_383 = tpu.memref_slice %arg4[%mul3A_2, %dma_wait3A_382] : memref<9216x256xf32, #tpu.memory_space<hbm>> -> memref<288x32xf32, #tpu.memory_space<hbm>>
      %dma_wait3A_384 = arith.constant 160 : i32
      %dma_wait3A_385 = tpu.memref_slice %arg4[%mul3A_2, %dma_wait3A_384] : memref<9216x256xf32, #tpu.memory_space<hbm>> -> memref<288x32xf32, #tpu.memory_space<hbm>>
      %dma_wait3A_386 = arith.constant 1440 : i32
      %dma_wait3A_387 = arith.constant 0 : i32
      %dma_wait3A_388 = tpu.memref_slice %arg7[%dma_wait3A_386, %dma_wait3A_387] : memref<2304x32xf32, #tpu.memory_space<vmem>> -> memref<288x32xf32, #tpu.memory_space<vmem>>
      tpu.wait_dma2 semaphore(%run_scoped3A_368 : memref<!tpu.dma_semaphore, #tpu.memory_space<semaphore_mem>>) src(%dma_wait3A_388 : memref<288x32xf32, #tpu.memory_space<vmem>>) dst(%dma_wait3A_385 : memref<288x32xf32, #tpu.memory_space<hbm>>)
      tpu.yield
    }) : () -> ()
    %run_scoped3A_366 = arith.constant 6 : i32
    "tpu.region"() ({
      %run_scoped3A_368 = tpu.sem_alloc : memref<!tpu.dma_semaphore, #tpu.memory_space<semaphore_mem>>
      %dma_start3A_369 = arith.constant 1728 : i32
      %dma_start3A_370 = arith.constant 0 : i32
      %dma_start3A_371 = tpu.memref_slice %arg7[%dma_start3A_369, %dma_start3A_370] : memref<2304x32xf32, #tpu.memory_space<vmem>> -> memref<288x32xf32, #tpu.memory_space<vmem>>
      %dma_start3A_372 = arith.constant 0 : i32
      %dma_start3A_373 = tpu.memref_slice %arg5[%run_scoped3A_366, %mul3A_2, %dma_start3A_372] : memref<8x9216x32xf32, #tpu.memory_space<hbm>> -> memref<1x288x32xf32, #tpu.memory_space<hbm>>
      %dma_start3A_374 = tpu.memref_squeeze %dma_start3A_373 : memref<1x288x32xf32, #tpu.memory_space<hbm>> -> memref<288x32xf32, #tpu.memory_space<hbm>>
      %dma_start3A_375 = arith.constant 0 : i32
      %dma_start3A_376 = tpu.memref_slice %arg5[%run_scoped3A_366, %mul3A_2, %dma_start3A_375] : memref<8x9216x32xf32, #tpu.memory_space<hbm>> -> memref<1x288x32xf32, #tpu.memory_space<hbm>>
      %dma_start3A_377 = tpu.memref_squeeze %dma_start3A_376 : memref<1x288x32xf32, #tpu.memory_space<hbm>> -> memref<288x32xf32, #tpu.memory_space<hbm>>
      %dma_start3A_378 = arith.constant 1728 : i32
      %dma_start3A_379 = arith.constant 0 : i32
      %dma_start3A_380 = tpu.memref_slice %arg7[%dma_start3A_378, %dma_start3A_379] : memref<2304x32xf32, #tpu.memory_space<vmem>> -> memref<288x32xf32, #tpu.memory_space<vmem>>
      tpu.enqueue_dma source(%dma_start3A_380 : memref<288x32xf32, #tpu.memory_space<vmem>>) target(%dma_start3A_377 : memref<288x32xf32, #tpu.memory_space<hbm>>) target_semaphore(%run_scoped3A_368 : memref<!tpu.dma_semaphore, #tpu.memory_space<semaphore_mem>>)
      %dma_wait3A_381 = arith.constant 1728 : i32
      %dma_wait3A_382 = arith.constant 0 : i32
      %dma_wait3A_383 = tpu.memref_slice %arg7[%dma_wait3A_381, %dma_wait3A_382] : memref<2304x32xf32, #tpu.memory_space<vmem>> -> memref<288x32xf32, #tpu.memory_space<vmem>>
      %dma_wait3A_384 = arith.constant 0 : i32
      %dma_wait3A_385 = tpu.memref_slice %arg5[%run_scoped3A_366, %mul3A_2, %dma_wait3A_384] : memref<8x9216x32xf32, #tpu.memory_space<hbm>> -> memref<1x288x32xf32, #tpu.memory_space<hbm>>
      %dma_wait3A_386 = tpu.memref_squeeze %dma_wait3A_385 : memref<1x288x32xf32, #tpu.memory_space<hbm>> -> memref<288x32xf32, #tpu.memory_space<hbm>>
      %dma_wait3A_387 = arith.constant 0 : i32
      %dma_wait3A_388 = tpu.memref_slice %arg5[%run_scoped3A_366, %mul3A_2, %dma_wait3A_387] : memref<8x9216x32xf32, #tpu.memory_space<hbm>> -> memref<1x288x32xf32, #tpu.memory_space<hbm>>
      %dma_wait3A_389 = tpu.memref_squeeze %dma_wait3A_388 : memref<1x288x32xf32, #tpu.memory_space<hbm>> -> memref<288x32xf32, #tpu.memory_space<hbm>>
      %dma_wait3A_390 = arith.constant 1728 : i32
      %dma_wait3A_391 = arith.constant 0 : i32
      %dma_wait3A_392 = tpu.memref_slice %arg7[%dma_wait3A_390, %dma_wait3A_391] : memref<2304x32xf32, #tpu.memory_space<vmem>> -> memref<288x32xf32, #tpu.memory_space<vmem>>
      tpu.wait_dma2 semaphore(%run_scoped3A_368 : memref<!tpu.dma_semaphore, #tpu.memory_space<semaphore_mem>>) src(%dma_wait3A_392 : memref<288x32xf32, #tpu.memory_space<vmem>>) dst(%dma_wait3A_389 : memref<288x32xf32, #tpu.memory_space<hbm>>)
      tpu.yield
    }) : () -> ()
    "tpu.region"() ({
      %run_scoped3A_368 = tpu.sem_alloc : memref<!tpu.dma_semaphore, #tpu.memory_space<semaphore_mem>>
      %dma_start3A_369 = arith.constant 1728 : i32
      %dma_start3A_370 = arith.constant 0 : i32
      %dma_start3A_371 = tpu.memref_slice %arg7[%dma_start3A_369, %dma_start3A_370] : memref<2304x32xf32, #tpu.memory_space<vmem>> -> memref<288x32xf32, #tpu.memory_space<vmem>>
      %dma_start3A_372 = arith.constant 192 : i32
      %dma_start3A_373 = tpu.memref_slice %arg4[%mul3A_2, %dma_start3A_372] : memref<9216x256xf32, #tpu.memory_space<hbm>> -> memref<288x32xf32, #tpu.memory_space<hbm>>
      %dma_start3A_374 = arith.constant 192 : i32
      %dma_start3A_375 = tpu.memref_slice %arg4[%mul3A_2, %dma_start3A_374] : memref<9216x256xf32, #tpu.memory_space<hbm>> -> memref<288x32xf32, #tpu.memory_space<hbm>>
      %dma_start3A_376 = arith.constant 1728 : i32
      %dma_start3A_377 = arith.constant 0 : i32
      %dma_start3A_378 = tpu.memref_slice %arg7[%dma_start3A_376, %dma_start3A_377] : memref<2304x32xf32, #tpu.memory_space<vmem>> -> memref<288x32xf32, #tpu.memory_space<vmem>>
      tpu.enqueue_dma source(%dma_start3A_378 : memref<288x32xf32, #tpu.memory_space<vmem>>) target(%dma_start3A_375 : memref<288x32xf32, #tpu.memory_space<hbm>>) target_semaphore(%run_scoped3A_368 : memref<!tpu.dma_semaphore, #tpu.memory_space<semaphore_mem>>)
      %dma_wait3A_379 = arith.constant 1728 : i32
      %dma_wait3A_380 = arith.constant 0 : i32
      %dma_wait3A_381 = tpu.memref_slice %arg7[%dma_wait3A_379, %dma_wait3A_380] : memref<2304x32xf32, #tpu.memory_space<vmem>> -> memref<288x32xf32, #tpu.memory_space<vmem>>
      %dma_wait3A_382 = arith.constant 192 : i32
      %dma_wait3A_383 = tpu.memref_slice %arg4[%mul3A_2, %dma_wait3A_382] : memref<9216x256xf32, #tpu.memory_space<hbm>> -> memref<288x32xf32, #tpu.memory_space<hbm>>
      %dma_wait3A_384 = arith.constant 192 : i32
      %dma_wait3A_385 = tpu.memref_slice %arg4[%mul3A_2, %dma_wait3A_384] : memref<9216x256xf32, #tpu.memory_space<hbm>> -> memref<288x32xf32, #tpu.memory_space<hbm>>
      %dma_wait3A_386 = arith.constant 1728 : i32
      %dma_wait3A_387 = arith.constant 0 : i32
      %dma_wait3A_388 = tpu.memref_slice %arg7[%dma_wait3A_386, %dma_wait3A_387] : memref<2304x32xf32, #tpu.memory_space<vmem>> -> memref<288x32xf32, #tpu.memory_space<vmem>>
      tpu.wait_dma2 semaphore(%run_scoped3A_368 : memref<!tpu.dma_semaphore, #tpu.memory_space<semaphore_mem>>) src(%dma_wait3A_388 : memref<288x32xf32, #tpu.memory_space<vmem>>) dst(%dma_wait3A_385 : memref<288x32xf32, #tpu.memory_space<hbm>>)
      tpu.yield
    }) : () -> ()
    %run_scoped3A_367 = arith.constant 7 : i32
    "tpu.region"() ({
      %run_scoped3A_368 = tpu.sem_alloc : memref<!tpu.dma_semaphore, #tpu.memory_space<semaphore_mem>>
      %dma_start3A_369 = arith.constant 2016 : i32
      %dma_start3A_370 = arith.constant 0 : i32
      %dma_start3A_371 = tpu.memref_slice %arg7[%dma_start3A_369, %dma_start3A_370] : memref<2304x32xf32, #tpu.memory_space<vmem>> -> memref<288x32xf32, #tpu.memory_space<vmem>>
      %dma_start3A_372 = arith.constant 0 : i32
      %dma_start3A_373 = tpu.memref_slice %arg5[%run_scoped3A_367, %mul3A_2, %dma_start3A_372] : memref<8x9216x32xf32, #tpu.memory_space<hbm>> -> memref<1x288x32xf32, #tpu.memory_space<hbm>>
      %dma_start3A_374 = tpu.memref_squeeze %dma_start3A_373 : memref<1x288x32xf32, #tpu.memory_space<hbm>> -> memref<288x32xf32, #tpu.memory_space<hbm>>
      %dma_start3A_375 = arith.constant 0 : i32
      %dma_start3A_376 = tpu.memref_slice %arg5[%run_scoped3A_367, %mul3A_2, %dma_start3A_375] : memref<8x9216x32xf32, #tpu.memory_space<hbm>> -> memref<1x288x32xf32, #tpu.memory_space<hbm>>
      %dma_start3A_377 = tpu.memref_squeeze %dma_start3A_376 : memref<1x288x32xf32, #tpu.memory_space<hbm>> -> memref<288x32xf32, #tpu.memory_space<hbm>>
      %dma_start3A_378 = arith.constant 2016 : i32
      %dma_start3A_379 = arith.constant 0 : i32
      %dma_start3A_380 = tpu.memref_slice %arg7[%dma_start3A_378, %dma_start3A_379] : memref<2304x32xf32, #tpu.memory_space<vmem>> -> memref<288x32xf32, #tpu.memory_space<vmem>>
      tpu.enqueue_dma source(%dma_start3A_380 : memref<288x32xf32, #tpu.memory_space<vmem>>) target(%dma_start3A_377 : memref<288x32xf32, #tpu.memory_space<hbm>>) target_semaphore(%run_scoped3A_368 : memref<!tpu.dma_semaphore, #tpu.memory_space<semaphore_mem>>)
      %dma_wait3A_381 = arith.constant 2016 : i32
      %dma_wait3A_382 = arith.constant 0 : i32
      %dma_wait3A_383 = tpu.memref_slice %arg7[%dma_wait3A_381, %dma_wait3A_382] : memref<2304x32xf32, #tpu.memory_space<vmem>> -> memref<288x32xf32, #tpu.memory_space<vmem>>
      %dma_wait3A_384 = arith.constant 0 : i32
      %dma_wait3A_385 = tpu.memref_slice %arg5[%run_scoped3A_367, %mul3A_2, %dma_wait3A_384] : memref<8x9216x32xf32, #tpu.memory_space<hbm>> -> memref<1x288x32xf32, #tpu.memory_space<hbm>>
      %dma_wait3A_386 = tpu.memref_squeeze %dma_wait3A_385 : memref<1x288x32xf32, #tpu.memory_space<hbm>> -> memref<288x32xf32, #tpu.memory_space<hbm>>
      %dma_wait3A_387 = arith.constant 0 : i32
      %dma_wait3A_388 = tpu.memref_slice %arg5[%run_scoped3A_367, %mul3A_2, %dma_wait3A_387] : memref<8x9216x32xf32, #tpu.memory_space<hbm>> -> memref<1x288x32xf32, #tpu.memory_space<hbm>>
      %dma_wait3A_389 = tpu.memref_squeeze %dma_wait3A_388 : memref<1x288x32xf32, #tpu.memory_space<hbm>> -> memref<288x32xf32, #tpu.memory_space<hbm>>
      %dma_wait3A_390 = arith.constant 2016 : i32
      %dma_wait3A_391 = arith.constant 0 : i32
      %dma_wait3A_392 = tpu.memref_slice %arg7[%dma_wait3A_390, %dma_wait3A_391] : memref<2304x32xf32, #tpu.memory_space<vmem>> -> memref<288x32xf32, #tpu.memory_space<vmem>>
      tpu.wait_dma2 semaphore(%run_scoped3A_368 : memref<!tpu.dma_semaphore, #tpu.memory_space<semaphore_mem>>) src(%dma_wait3A_392 : memref<288x32xf32, #tpu.memory_space<vmem>>) dst(%dma_wait3A_389 : memref<288x32xf32, #tpu.memory_space<hbm>>)
      tpu.yield
    }) : () -> ()
    "tpu.region"() ({
      %run_scoped3A_368 = tpu.sem_alloc : memref<!tpu.dma_semaphore, #tpu.memory_space<semaphore_mem>>
      %dma_start3A_369 = arith.constant 2016 : i32
      %dma_start3A_370 = arith.constant 0 : i32
      %dma_start3A_371 = tpu.memref_slice %arg7[%dma_start3A_369, %dma_start3A_370] : memref<2304x32xf32, #tpu.memory_space<vmem>> -> memref<288x32xf32, #tpu.memory_space<vmem>>
      %dma_start3A_372 = arith.constant 224 : i32
      %dma_start3A_373 = tpu.memref_slice %arg4[%mul3A_2, %dma_start3A_372] : memref<9216x256xf32, #tpu.memory_space<hbm>> -> memref<288x32xf32, #tpu.memory_space<hbm>>
      %dma_start3A_374 = arith.constant 224 : i32
      %dma_start3A_375 = tpu.memref_slice %arg4[%mul3A_2, %dma_start3A_374] : memref<9216x256xf32, #tpu.memory_space<hbm>> -> memref<288x32xf32, #tpu.memory_space<hbm>>
      %dma_start3A_376 = arith.constant 2016 : i32
      %dma_start3A_377 = arith.constant 0 : i32
      %dma_start3A_378 = tpu.memref_slice %arg7[%dma_start3A_376, %dma_start3A_377] : memref<2304x32xf32, #tpu.memory_space<vmem>> -> memref<288x32xf32, #tpu.memory_space<vmem>>
      tpu.enqueue_dma source(%dma_start3A_378 : memref<288x32xf32, #tpu.memory_space<vmem>>) target(%dma_start3A_375 : memref<288x32xf32, #tpu.memory_space<hbm>>) target_semaphore(%run_scoped3A_368 : memref<!tpu.dma_semaphore, #tpu.memory_space<semaphore_mem>>)
      %dma_wait3A_379 = arith.constant 2016 : i32
      %dma_wait3A_380 = arith.constant 0 : i32
      %dma_wait3A_381 = tpu.memref_slice %arg7[%dma_wait3A_379, %dma_wait3A_380] : memref<2304x32xf32, #tpu.memory_space<vmem>> -> memref<288x32xf32, #tpu.memory_space<vmem>>
      %dma_wait3A_382 = arith.constant 224 : i32
      %dma_wait3A_383 = tpu.memref_slice %arg4[%mul3A_2, %dma_wait3A_382] : memref<9216x256xf32, #tpu.memory_space<hbm>> -> memref<288x32xf32, #tpu.memory_space<hbm>>
      %dma_wait3A_384 = arith.constant 224 : i32
      %dma_wait3A_385 = tpu.memref_slice %arg4[%mul3A_2, %dma_wait3A_384] : memref<9216x256xf32, #tpu.memory_space<hbm>> -> memref<288x32xf32, #tpu.memory_space<hbm>>
      %dma_wait3A_386 = arith.constant 2016 : i32
      %dma_wait3A_387 = arith.constant 0 : i32
      %dma_wait3A_388 = tpu.memref_slice %arg7[%dma_wait3A_386, %dma_wait3A_387] : memref<2304x32xf32, #tpu.memory_space<vmem>> -> memref<288x32xf32, #tpu.memory_space<vmem>>
      tpu.wait_dma2 semaphore(%run_scoped3A_368 : memref<!tpu.dma_semaphore, #tpu.memory_space<semaphore_mem>>) src(%dma_wait3A_388 : memref<288x32xf32, #tpu.memory_space<vmem>>) dst(%dma_wait3A_385 : memref<288x32xf32, #tpu.memory_space<hbm>>)
      tpu.yield
    }) : () -> ()
    return
  }
}

module attributes {stable_mosaic.version = 14 : i64} {
  func.func @_csq_body(%arg0: memref<8x1024x32xf32, #tpu.memory_space<vmem>>, %arg1: memref<8x1024xf32, #tpu.memory_space<vmem>>) attributes {dimension_semantics = [], scalar_prefetch = 0 : i64, scratch_operands = 0 : i64, tpu.core_type = #tpu.core_type<tc>} {
    %get3A = arith.constant 0 : index
    %get3A_0 = arith.constant 0 : index
    %get3A_1 = arith.constant 0 : index
    %get3A_2 = vector.load %arg0[%get3A, %get3A_0, %get3A_1] : memref<8x1024x32xf32, #tpu.memory_space<vmem>>, vector<1x1024x32xf32>
    %get3A_3 = vector.shape_cast %get3A_2 : vector<1x1024x32xf32> to vector<1024x32xf32>
    %mul3A = arith.mulf %get3A_3, %get3A_3 : vector<1024x32xf32>
    %reduce_sum3A = arith.constant dense<0.000000e+00> : vector<1024xf32>
    %reduce_sum3A_4 = vector.multi_reduction <add>, %mul3A, %reduce_sum3A [1] : vector<1024x32xf32> to vector<1024xf32>
    %mul3A_5 = arith.constant 2.500000e-01 : f32
    %mul3A_6 = vector.broadcast %mul3A_5 : f32 to vector<1024xf32>
    %mul3A_7 = arith.mulf %mul3A_6, %reduce_sum3A_4 : vector<1024xf32>
    %swap3A = arith.constant 0 : index
    %swap3A_8 = arith.constant 0 : index
    %swap3A_9 = vector.load %arg1[%swap3A, %swap3A_8] : memref<8x1024xf32, #tpu.memory_space<vmem>>, vector<1x1024xf32>
    %swap3A_10 = vector.shape_cast %swap3A_9 : vector<1x1024xf32> to vector<1024xf32>
    %swap3A_11 = vector.shape_cast %mul3A_7 : vector<1024xf32> to vector<1x1024xf32>
    tpu.vector_store %arg1[%swap3A, %swap3A_8], %swap3A_11 {strides = array<i32>} : memref<8x1024xf32, #tpu.memory_space<vmem>>, vector<1x1024xf32>,
    %get3A_12 = arith.constant 1 : index
    %get3A_13 = arith.constant 0 : index
    %get3A_14 = arith.constant 0 : index
    %get3A_15 = vector.load %arg0[%get3A_12, %get3A_13, %get3A_14] : memref<8x1024x32xf32, #tpu.memory_space<vmem>>, vector<1x1024x32xf32>
    %get3A_16 = vector.shape_cast %get3A_15 : vector<1x1024x32xf32> to vector<1024x32xf32>
    %mul3A_17 = arith.mulf %get3A_16, %get3A_16 : vector<1024x32xf32>
    %reduce_sum3A_18 = arith.constant dense<0.000000e+00> : vector<1024xf32>
    %reduce_sum3A_19 = vector.multi_reduction <add>, %mul3A_17, %reduce_sum3A_18 [1] : vector<1024x32xf32> to vector<1024xf32>
    %mul3A_20 = arith.constant 2.500000e-01 : f32
    %mul3A_21 = vector.broadcast %mul3A_20 : f32 to vector<1024xf32>
    %mul3A_22 = arith.mulf %mul3A_21, %reduce_sum3A_19 : vector<1024xf32>
    %swap3A_23 = arith.constant 1 : index
    %swap3A_24 = arith.constant 0 : index
    %swap3A_25 = vector.load %arg1[%swap3A_23, %swap3A_24] : memref<8x1024xf32, #tpu.memory_space<vmem>>, vector<1x1024xf32>
    %swap3A_26 = vector.shape_cast %swap3A_25 : vector<1x1024xf32> to vector<1024xf32>
    %swap3A_27 = vector.shape_cast %mul3A_22 : vector<1024xf32> to vector<1x1024xf32>
    tpu.vector_store %arg1[%swap3A_23, %swap3A_24], %swap3A_27 {strides = array<i32>} : memref<8x1024xf32, #tpu.memory_space<vmem>>, vector<1x1024xf32>,
    %get3A_28 = arith.constant 2 : index
    %get3A_29 = arith.constant 0 : index
    %get3A_30 = arith.constant 0 : index
    %get3A_31 = vector.load %arg0[%get3A_28, %get3A_29, %get3A_30] : memref<8x1024x32xf32, #tpu.memory_space<vmem>>, vector<1x1024x32xf32>
    %get3A_32 = vector.shape_cast %get3A_31 : vector<1x1024x32xf32> to vector<1024x32xf32>
    %mul3A_33 = arith.mulf %get3A_32, %get3A_32 : vector<1024x32xf32>
    %reduce_sum3A_34 = arith.constant dense<0.000000e+00> : vector<1024xf32>
    %reduce_sum3A_35 = vector.multi_reduction <add>, %mul3A_33, %reduce_sum3A_34 [1] : vector<1024x32xf32> to vector<1024xf32>
    %mul3A_36 = arith.constant 2.500000e-01 : f32
    %mul3A_37 = vector.broadcast %mul3A_36 : f32 to vector<1024xf32>
    %mul3A_38 = arith.mulf %mul3A_37, %reduce_sum3A_35 : vector<1024xf32>
    %swap3A_39 = arith.constant 2 : index
    %swap3A_40 = arith.constant 0 : index
    %swap3A_41 = vector.load %arg1[%swap3A_39, %swap3A_40] : memref<8x1024xf32, #tpu.memory_space<vmem>>, vector<1x1024xf32>
    %swap3A_42 = vector.shape_cast %swap3A_41 : vector<1x1024xf32> to vector<1024xf32>
    %swap3A_43 = vector.shape_cast %mul3A_38 : vector<1024xf32> to vector<1x1024xf32>
    tpu.vector_store %arg1[%swap3A_39, %swap3A_40], %swap3A_43 {strides = array<i32>} : memref<8x1024xf32, #tpu.memory_space<vmem>>, vector<1x1024xf32>,
    %get3A_44 = arith.constant 3 : index
    %get3A_45 = arith.constant 0 : index
    %get3A_46 = arith.constant 0 : index
    %get3A_47 = vector.load %arg0[%get3A_44, %get3A_45, %get3A_46] : memref<8x1024x32xf32, #tpu.memory_space<vmem>>, vector<1x1024x32xf32>
    %get3A_48 = vector.shape_cast %get3A_47 : vector<1x1024x32xf32> to vector<1024x32xf32>
    %mul3A_49 = arith.mulf %get3A_48, %get3A_48 : vector<1024x32xf32>
    %reduce_sum3A_50 = arith.constant dense<0.000000e+00> : vector<1024xf32>
    %reduce_sum3A_51 = vector.multi_reduction <add>, %mul3A_49, %reduce_sum3A_50 [1] : vector<1024x32xf32> to vector<1024xf32>
    %mul3A_52 = arith.constant 2.500000e-01 : f32
    %mul3A_53 = vector.broadcast %mul3A_52 : f32 to vector<1024xf32>
    %mul3A_54 = arith.mulf %mul3A_53, %reduce_sum3A_51 : vector<1024xf32>
    %swap3A_55 = arith.constant 3 : index
    %swap3A_56 = arith.constant 0 : index
    %swap3A_57 = vector.load %arg1[%swap3A_55, %swap3A_56] : memref<8x1024xf32, #tpu.memory_space<vmem>>, vector<1x1024xf32>
    %swap3A_58 = vector.shape_cast %swap3A_57 : vector<1x1024xf32> to vector<1024xf32>
    %swap3A_59 = vector.shape_cast %mul3A_54 : vector<1024xf32> to vector<1x1024xf32>
    tpu.vector_store %arg1[%swap3A_55, %swap3A_56], %swap3A_59 {strides = array<i32>} : memref<8x1024xf32, #tpu.memory_space<vmem>>, vector<1x1024xf32>,
    %get3A_60 = arith.constant 4 : index
    %get3A_61 = arith.constant 0 : index
    %get3A_62 = arith.constant 0 : index
    %get3A_63 = vector.load %arg0[%get3A_60, %get3A_61, %get3A_62] : memref<8x1024x32xf32, #tpu.memory_space<vmem>>, vector<1x1024x32xf32>
    %get3A_64 = vector.shape_cast %get3A_63 : vector<1x1024x32xf32> to vector<1024x32xf32>
    %mul3A_65 = arith.mulf %get3A_64, %get3A_64 : vector<1024x32xf32>
    %reduce_sum3A_66 = arith.constant dense<0.000000e+00> : vector<1024xf32>
    %reduce_sum3A_67 = vector.multi_reduction <add>, %mul3A_65, %reduce_sum3A_66 [1] : vector<1024x32xf32> to vector<1024xf32>
    %mul3A_68 = arith.constant 2.500000e-01 : f32
    %mul3A_69 = vector.broadcast %mul3A_68 : f32 to vector<1024xf32>
    %mul3A_70 = arith.mulf %mul3A_69, %reduce_sum3A_67 : vector<1024xf32>
    %swap3A_71 = arith.constant 4 : index
    %swap3A_72 = arith.constant 0 : index
    %swap3A_73 = vector.load %arg1[%swap3A_71, %swap3A_72] : memref<8x1024xf32, #tpu.memory_space<vmem>>, vector<1x1024xf32>
    %swap3A_74 = vector.shape_cast %swap3A_73 : vector<1x1024xf32> to vector<1024xf32>
    %swap3A_75 = vector.shape_cast %mul3A_70 : vector<1024xf32> to vector<1x1024xf32>
    tpu.vector_store %arg1[%swap3A_71, %swap3A_72], %swap3A_75 {strides = array<i32>} : memref<8x1024xf32, #tpu.memory_space<vmem>>, vector<1x1024xf32>,
    %get3A_76 = arith.constant 5 : index
    %get3A_77 = arith.constant 0 : index
    %get3A_78 = arith.constant 0 : index
    %get3A_79 = vector.load %arg0[%get3A_76, %get3A_77, %get3A_78] : memref<8x1024x32xf32, #tpu.memory_space<vmem>>, vector<1x1024x32xf32>
    %get3A_80 = vector.shape_cast %get3A_79 : vector<1x1024x32xf32> to vector<1024x32xf32>
    %mul3A_81 = arith.mulf %get3A_80, %get3A_80 : vector<1024x32xf32>
    %reduce_sum3A_82 = arith.constant dense<0.000000e+00> : vector<1024xf32>
    %reduce_sum3A_83 = vector.multi_reduction <add>, %mul3A_81, %reduce_sum3A_82 [1] : vector<1024x32xf32> to vector<1024xf32>
    %mul3A_84 = arith.constant 2.500000e-01 : f32
    %mul3A_85 = vector.broadcast %mul3A_84 : f32 to vector<1024xf32>
    %mul3A_86 = arith.mulf %mul3A_85, %reduce_sum3A_83 : vector<1024xf32>
    %swap3A_87 = arith.constant 5 : index
    %swap3A_88 = arith.constant 0 : index
    %swap3A_89 = vector.load %arg1[%swap3A_87, %swap3A_88] : memref<8x1024xf32, #tpu.memory_space<vmem>>, vector<1x1024xf32>
    %swap3A_90 = vector.shape_cast %swap3A_89 : vector<1x1024xf32> to vector<1024xf32>
    %swap3A_91 = vector.shape_cast %mul3A_86 : vector<1024xf32> to vector<1x1024xf32>
    tpu.vector_store %arg1[%swap3A_87, %swap3A_88], %swap3A_91 {strides = array<i32>} : memref<8x1024xf32, #tpu.memory_space<vmem>>, vector<1x1024xf32>,
    %get3A_92 = arith.constant 6 : index
    %get3A_93 = arith.constant 0 : index
    %get3A_94 = arith.constant 0 : index
    %get3A_95 = vector.load %arg0[%get3A_92, %get3A_93, %get3A_94] : memref<8x1024x32xf32, #tpu.memory_space<vmem>>, vector<1x1024x32xf32>
    %get3A_96 = vector.shape_cast %get3A_95 : vector<1x1024x32xf32> to vector<1024x32xf32>
    %mul3A_97 = arith.mulf %get3A_96, %get3A_96 : vector<1024x32xf32>
    %reduce_sum3A_98 = arith.constant dense<0.000000e+00> : vector<1024xf32>
    %reduce_sum3A_99 = vector.multi_reduction <add>, %mul3A_97, %reduce_sum3A_98 [1] : vector<1024x32xf32> to vector<1024xf32>
    %mul3A_100 = arith.constant 2.500000e-01 : f32
    %mul3A_101 = vector.broadcast %mul3A_100 : f32 to vector<1024xf32>
    %mul3A_102 = arith.mulf %mul3A_101, %reduce_sum3A_99 : vector<1024xf32>
    %swap3A_103 = arith.constant 6 : index
    %swap3A_104 = arith.constant 0 : index
    %swap3A_105 = vector.load %arg1[%swap3A_103, %swap3A_104] : memref<8x1024xf32, #tpu.memory_space<vmem>>, vector<1x1024xf32>
    %swap3A_106 = vector.shape_cast %swap3A_105 : vector<1x1024xf32> to vector<1024xf32>
    %swap3A_107 = vector.shape_cast %mul3A_102 : vector<1024xf32> to vector<1x1024xf32>
    tpu.vector_store %arg1[%swap3A_103, %swap3A_104], %swap3A_107 {strides = array<i32>} : memref<8x1024xf32, #tpu.memory_space<vmem>>, vector<1x1024xf32>,
    %get3A_108 = arith.constant 7 : index
    %get3A_109 = arith.constant 0 : index
    %get3A_110 = arith.constant 0 : index
    %get3A_111 = vector.load %arg0[%get3A_108, %get3A_109, %get3A_110] : memref<8x1024x32xf32, #tpu.memory_space<vmem>>, vector<1x1024x32xf32>
    %get3A_112 = vector.shape_cast %get3A_111 : vector<1x1024x32xf32> to vector<1024x32xf32>
    %mul3A_113 = arith.mulf %get3A_112, %get3A_112 : vector<1024x32xf32>
    %reduce_sum3A_114 = arith.constant dense<0.000000e+00> : vector<1024xf32>
    %reduce_sum3A_115 = vector.multi_reduction <add>, %mul3A_113, %reduce_sum3A_114 [1] : vector<1024x32xf32> to vector<1024xf32>
    %mul3A_116 = arith.constant 2.500000e-01 : f32
    %mul3A_117 = vector.broadcast %mul3A_116 : f32 to vector<1024xf32>
    %mul3A_118 = arith.mulf %mul3A_117, %reduce_sum3A_115 : vector<1024xf32>
    %swap3A_119 = arith.constant 7 : index
    %swap3A_120 = arith.constant 0 : index
    %swap3A_121 = vector.load %arg1[%swap3A_119, %swap3A_120] : memref<8x1024xf32, #tpu.memory_space<vmem>>, vector<1x1024xf32>
    %swap3A_122 = vector.shape_cast %swap3A_121 : vector<1x1024xf32> to vector<1024xf32>
    %swap3A_123 = vector.shape_cast %mul3A_118 : vector<1024xf32> to vector<1x1024xf32>
    tpu.vector_store %arg1[%swap3A_119, %swap3A_120], %swap3A_123 {strides = array<i32>} : memref<8x1024xf32, #tpu.memory_space<vmem>>, vector<1x1024xf32>,
    return
  }
}

module attributes {stable_mosaic.version = 14 : i64} {
  func.func @_tc_body(%arg0: i32, %arg1: memref<256x256xf32, #tpu.memory_space<vmem>>, %arg2: memref<8x1024x32xf32, #tpu.memory_space<vmem>>, %arg3: memref<8x1024xf32, #tpu.memory_space<vmem>>, %arg4: memref<8x1024xf32, #tpu.memory_space<vmem>>, %arg5: memref<256x8xi32, #tpu.memory_space<vmem>>) attributes {dimension_semantics = [#tpu.dimension_semantics<arbitrary>], iteration_bounds = array<i64: 36>, scalar_prefetch = 0 : i64, scratch_operands = 0 : i64, tpu.core_type = #tpu.core_type<tc>, window_params = [{transform_indices = @transform_0, window_bounds = array<i64: 256, 256>}, {pipeline_mode = #tpu.pipeline_mode<synchronous>, transform_indices = @transform_1, window_bounds = array<i64: 8, 1024, 32>}, {pipeline_mode = #tpu.pipeline_mode<synchronous>, transform_indices = @transform_2, window_bounds = array<i64: 8, 1024>}, {pipeline_mode = #tpu.pipeline_mode<synchronous>, transform_indices = @transform_3, window_bounds = array<i64: 8, 1024>}, {transform_indices = @transform_4, window_bounds = array<i64: 256, 8>}]} {
    %get3A = arith.constant 0 : index
    %get3A_0 = arith.constant 0 : index
    %get3A_1 = vector.load %arg1[%get3A, %get3A_0] : memref<256x256xf32, #tpu.memory_space<vmem>>, vector<256x256xf32>
    %slice3A = vector.extract_strided_slice %get3A_1 {offsets = [0, 0], sizes = [256, 32], strides = [1, 1]} : vector<256x256xf32> to vector<256x32xf32>
    %get3A_2 = arith.constant 0 : index
    %get3A_3 = arith.constant 0 : index
    %get3A_4 = arith.constant 0 : index
    %get3A_5 = vector.load %arg2[%get3A_2, %get3A_3, %get3A_4] : memref<8x1024x32xf32, #tpu.memory_space<vmem>>, vector<1x1024x32xf32>
    %get3A_6 = vector.shape_cast %get3A_5 : vector<1x1024x32xf32> to vector<1024x32xf32>
    %dot_general3A = arith.constant dense<0.000000e+00> : vector<256x1024xf32>
    %dot_general3A_7 = tpu.matmul %slice3A, %get3A_6, %dot_general3A {dimension_numbers = #tpu.dot_dimension_numbers<[1], [1], [0], [0], [0, 0, 1, 0], [], []>, transpose_lhs_hint = false} : vector<256x32xf32>, vector<1024x32xf32>, vector<256x1024xf32> -> vector<256x1024xf32>
    %slice3A_8 = vector.extract_strided_slice %get3A_1 {offsets = [0, 32], sizes = [256, 32], strides = [1, 1]} : vector<256x256xf32> to vector<256x32xf32>
    %get3A_9 = arith.constant 1 : index
    %get3A_10 = arith.constant 0 : index
    %get3A_11 = arith.constant 0 : index
    %get3A_12 = vector.load %arg2[%get3A_9, %get3A_10, %get3A_11] : memref<8x1024x32xf32, #tpu.memory_space<vmem>>, vector<1x1024x32xf32>
    %get3A_13 = vector.shape_cast %get3A_12 : vector<1x1024x32xf32> to vector<1024x32xf32>
    %dot_general3A_14 = arith.constant dense<0.000000e+00> : vector<256x1024xf32>
    %dot_general3A_15 = tpu.matmul %slice3A_8, %get3A_13, %dot_general3A_14 {dimension_numbers = #tpu.dot_dimension_numbers<[1], [1], [0], [0], [0, 0, 1, 0], [], []>, transpose_lhs_hint = false} : vector<256x32xf32>, vector<1024x32xf32>, vector<256x1024xf32> -> vector<256x1024xf32>
    %slice3A_16 = vector.extract_strided_slice %get3A_1 {offsets = [0, 64], sizes = [256, 32], strides = [1, 1]} : vector<256x256xf32> to vector<256x32xf32>
    %get3A_17 = arith.constant 2 : index
    %get3A_18 = arith.constant 0 : index
    %get3A_19 = arith.constant 0 : index
    %get3A_20 = vector.load %arg2[%get3A_17, %get3A_18, %get3A_19] : memref<8x1024x32xf32, #tpu.memory_space<vmem>>, vector<1x1024x32xf32>
    %get3A_21 = vector.shape_cast %get3A_20 : vector<1x1024x32xf32> to vector<1024x32xf32>
    %dot_general3A_22 = arith.constant dense<0.000000e+00> : vector<256x1024xf32>
    %dot_general3A_23 = tpu.matmul %slice3A_16, %get3A_21, %dot_general3A_22 {dimension_numbers = #tpu.dot_dimension_numbers<[1], [1], [0], [0], [0, 0, 1, 0], [], []>, transpose_lhs_hint = false} : vector<256x32xf32>, vector<1024x32xf32>, vector<256x1024xf32> -> vector<256x1024xf32>
    %slice3A_24 = vector.extract_strided_slice %get3A_1 {offsets = [0, 96], sizes = [256, 32], strides = [1, 1]} : vector<256x256xf32> to vector<256x32xf32>
    %get3A_25 = arith.constant 3 : index
    %get3A_26 = arith.constant 0 : index
    %get3A_27 = arith.constant 0 : index
    %get3A_28 = vector.load %arg2[%get3A_25, %get3A_26, %get3A_27] : memref<8x1024x32xf32, #tpu.memory_space<vmem>>, vector<1x1024x32xf32>
    %get3A_29 = vector.shape_cast %get3A_28 : vector<1x1024x32xf32> to vector<1024x32xf32>
    %dot_general3A_30 = arith.constant dense<0.000000e+00> : vector<256x1024xf32>
    %dot_general3A_31 = tpu.matmul %slice3A_24, %get3A_29, %dot_general3A_30 {dimension_numbers = #tpu.dot_dimension_numbers<[1], [1], [0], [0], [0, 0, 1, 0], [], []>, transpose_lhs_hint = false} : vector<256x32xf32>, vector<1024x32xf32>, vector<256x1024xf32> -> vector<256x1024xf32>
    %slice3A_32 = vector.extract_strided_slice %get3A_1 {offsets = [0, 128], sizes = [256, 32], strides = [1, 1]} : vector<256x256xf32> to vector<256x32xf32>
    %get3A_33 = arith.constant 4 : index
    %get3A_34 = arith.constant 0 : index
    %get3A_35 = arith.constant 0 : index
    %get3A_36 = vector.load %arg2[%get3A_33, %get3A_34, %get3A_35] : memref<8x1024x32xf32, #tpu.memory_space<vmem>>, vector<1x1024x32xf32>
    %get3A_37 = vector.shape_cast %get3A_36 : vector<1x1024x32xf32> to vector<1024x32xf32>
    %dot_general3A_38 = arith.constant dense<0.000000e+00> : vector<256x1024xf32>
    %dot_general3A_39 = tpu.matmul %slice3A_32, %get3A_37, %dot_general3A_38 {dimension_numbers = #tpu.dot_dimension_numbers<[1], [1], [0], [0], [0, 0, 1, 0], [], []>, transpose_lhs_hint = false} : vector<256x32xf32>, vector<1024x32xf32>, vector<256x1024xf32> -> vector<256x1024xf32>
    %slice3A_40 = vector.extract_strided_slice %get3A_1 {offsets = [0, 160], sizes = [256, 32], strides = [1, 1]} : vector<256x256xf32> to vector<256x32xf32>
    %get3A_41 = arith.constant 5 : index
    %get3A_42 = arith.constant 0 : index
    %get3A_43 = arith.constant 0 : index
    %get3A_44 = vector.load %arg2[%get3A_41, %get3A_42, %get3A_43] : memref<8x1024x32xf32, #tpu.memory_space<vmem>>, vector<1x1024x32xf32>
    %get3A_45 = vector.shape_cast %get3A_44 : vector<1x1024x32xf32> to vector<1024x32xf32>
    %dot_general3A_46 = arith.constant dense<0.000000e+00> : vector<256x1024xf32>
    %dot_general3A_47 = tpu.matmul %slice3A_40, %get3A_45, %dot_general3A_46 {dimension_numbers = #tpu.dot_dimension_numbers<[1], [1], [0], [0], [0, 0, 1, 0], [], []>, transpose_lhs_hint = false} : vector<256x32xf32>, vector<1024x32xf32>, vector<256x1024xf32> -> vector<256x1024xf32>
    %slice3A_48 = vector.extract_strided_slice %get3A_1 {offsets = [0, 192], sizes = [256, 32], strides = [1, 1]} : vector<256x256xf32> to vector<256x32xf32>
    %get3A_49 = arith.constant 6 : index
    %get3A_50 = arith.constant 0 : index
    %get3A_51 = arith.constant 0 : index
    %get3A_52 = vector.load %arg2[%get3A_49, %get3A_50, %get3A_51] : memref<8x1024x32xf32, #tpu.memory_space<vmem>>, vector<1x1024x32xf32>
    %get3A_53 = vector.shape_cast %get3A_52 : vector<1x1024x32xf32> to vector<1024x32xf32>
    %dot_general3A_54 = arith.constant dense<0.000000e+00> : vector<256x1024xf32>
    %dot_general3A_55 = tpu.matmul %slice3A_48, %get3A_53, %dot_general3A_54 {dimension_numbers = #tpu.dot_dimension_numbers<[1], [1], [0], [0], [0, 0, 1, 0], [], []>, transpose_lhs_hint = false} : vector<256x32xf32>, vector<1024x32xf32>, vector<256x1024xf32> -> vector<256x1024xf32>
    %slice3A_56 = vector.extract_strided_slice %get3A_1 {offsets = [0, 224], sizes = [256, 32], strides = [1, 1]} : vector<256x256xf32> to vector<256x32xf32>
    %get3A_57 = arith.constant 7 : index
    %get3A_58 = arith.constant 0 : index
    %get3A_59 = arith.constant 0 : index
    %get3A_60 = vector.load %arg2[%get3A_57, %get3A_58, %get3A_59] : memref<8x1024x32xf32, #tpu.memory_space<vmem>>, vector<1x1024x32xf32>
    %get3A_61 = vector.shape_cast %get3A_60 : vector<1x1024x32xf32> to vector<1024x32xf32>
    %dot_general3A_62 = arith.constant dense<0.000000e+00> : vector<256x1024xf32>
    %dot_general3A_63 = tpu.matmul %slice3A_56, %get3A_61, %dot_general3A_62 {dimension_numbers = #tpu.dot_dimension_numbers<[1], [1], [0], [0], [0, 0, 1, 0], [], []>, transpose_lhs_hint = false} : vector<256x32xf32>, vector<1024x32xf32>, vector<256x1024xf32> -> vector<256x1024xf32>
    %concatenate3A = tpu.concatenate %dot_general3A_7, %dot_general3A_15, %dot_general3A_23, %dot_general3A_31, %dot_general3A_39, %dot_general3A_47, %dot_general3A_55, %dot_general3A_63 in 1 : vector<256x1024xf32>, vector<256x1024xf32>, vector<256x1024xf32>, vector<256x1024xf32>, vector<256x1024xf32>, vector<256x1024xf32>, vector<256x1024xf32>, vector<256x1024xf32> -> vector<256x8192xf32>
    %reshape3A = vector.shape_cast %concatenate3A : vector<256x8192xf32> to vector<256x8x1024xf32>
    %get3A_64 = arith.constant 0 : index
    %get3A_65 = arith.constant 0 : index
    %get3A_66 = vector.load %arg3[%get3A_64, %get3A_65] : memref<8x1024xf32, #tpu.memory_space<vmem>>, vector<8x1024xf32>
    %broadcast_in_dim3A = vector.shape_cast %get3A_66 : vector<8x1024xf32> to vector<1x8x1024xf32>
    %add3A = vector.broadcast %broadcast_in_dim3A : vector<1x8x1024xf32> to vector<256x8x1024xf32>
    %add3A_67 = arith.addf %reshape3A, %add3A : vector<256x8x1024xf32>
    %reduce_min3A = arith.constant dense<0x7F800000> : vector<256x8xf32>
    %reduce_min3A_68 = vector.multi_reduction <minimumf>, %add3A_67, %reduce_min3A [2] : vector<256x8x1024xf32> to vector<256x8xf32>
    %broadcast_in_dim3A_69 = vector.shape_cast %reduce_min3A_68 : vector<256x8xf32> to vector<256x8x1xf32>
    %eq3A = vector.broadcast %broadcast_in_dim3A_69 : vector<256x8x1xf32> to vector<256x8x1024xf32>
    %eq3A_70 = arith.cmpf oeq, %add3A_67, %eq3A : vector<256x8x1024xf32>
    %get3A_71 = arith.constant 0 : index
    %get3A_72 = arith.constant 0 : index
    %get3A_73 = vector.load %arg4[%get3A_71, %get3A_72] : memref<8x1024xf32, #tpu.memory_space<vmem>>, vector<8x1024xf32>
    %broadcast_in_dim3A_74 = vector.shape_cast %get3A_73 : vector<8x1024xf32> to vector<1x8x1024xf32>
    %jit3A = arith.constant 1.024000e+03 : f32
    %broadcast_in_dim3A_75 = vector.shape_cast %broadcast_in_dim3A_74 : vector<1x8x1024xf32> to vector<1x8x1024xf32>
    %broadcast_in_dim3A_76 = vector.broadcast %broadcast_in_dim3A_75 : vector<1x8x1024xf32> to vector<256x8x1024xf32>
    %broadcast_in_dim3A_77 = vector.broadcast %jit3A : f32 to vector<256x8x1024xf32>
    %select_n3A = arith.select %eq3A_70, %broadcast_in_dim3A_76, %broadcast_in_dim3A_77 : vector<256x8x1024xi1>, vector<256x8x1024xf32>
    %reduce_min3A_78 = arith.constant dense<0x7F800000> : vector<256x8xf32>
    %reduce_min3A_79 = vector.multi_reduction <minimumf>, %select_n3A, %reduce_min3A_78 [2] : vector<256x8x1024xf32> to vector<256x8xf32>
    %convert_element_type3A = arith.fptosi %reduce_min3A_79 : vector<256x8xf32> to vector<256x8xi32>
    %swap3A = arith.constant 0 : index
    %swap3A_80 = arith.constant 0 : index
    %swap3A_81 = vector.load %arg5[%swap3A, %swap3A_80] : memref<256x8xi32, #tpu.memory_space<vmem>>, vector<256x8xi32>
    tpu.vector_store %arg5[%swap3A, %swap3A_80], %convert_element_type3A {strides = array<i32>} : memref<256x8xi32, #tpu.memory_space<vmem>>, vector<256x8xi32>,
    return
  }
  func.func @transform_0(%arg0: i32) -> (i32, i32) {
    %c0_i32 = arith.constant 0 : i32
    %c0_i32_0 = arith.constant 0 : i32
    return %arg0, %c0_i32 : i32, i32
  }
  func.func @transform_1(%arg0: i32) -> (i32, i32, i32) {
    %c0_i32 = arith.constant 0 : i32
    %c0_i32_0 = arith.constant 0 : i32
    %c0_i32_1 = arith.constant 0 : i32
    %c0_i32_2 = arith.constant 0 : i32
    return %c0_i32, %c0_i32_0, %c0_i32_1 : i32, i32, i32
  }
  func.func @transform_2(%arg0: i32) -> (i32, i32) {
    %c0_i32 = arith.constant 0 : i32
    %c0_i32_0 = arith.constant 0 : i32
    %c0_i32_1 = arith.constant 0 : i32
    return %c0_i32, %c0_i32_0 : i32, i32
  }
  func.func @transform_3(%arg0: i32) -> (i32, i32) {
    %c0_i32 = arith.constant 0 : i32
    %c0_i32_0 = arith.constant 0 : i32
    %c0_i32_1 = arith.constant 0 : i32
    return %c0_i32, %c0_i32_0 : i32, i32
  }
  func.func @transform_4(%arg0: i32) -> (i32, i32) {
    %c0_i32 = arith.constant 0 : i32
    %c0_i32_0 = arith.constant 0 : i32
    return %arg0, %c0_i32 : i32, i32
  }
}

</mosaic_0001>

<sc_bundles>
// kernel: kernel.5.cloned.1.call-start
scs
__scs_entry_jumppad:
0x0: {  	(pc) =	sbr.rel $0x88, $3  }
0x1: {  	(tag) =	ssettag $0x0;
	lr =	simm.s32 $0x1  }
0x2: {  	[smem:$0x3F9F] =	sst lr;
	_ =	strace $0xD0000000  }
0x3: {  	_ = 	snop  }
0x4: {  	_ = 	snop  }
0x5: {  	_ = 	snop  }
0x6: {  	_ = 	snop  }
0x7: {  	_ = 	snop  }
__scs_overlays_trampoline_lowered:
0x8: {  	[smem:$0x3FAE] =	sst s0  }
0x9: {  	[smem:$0x3FAF] =	sst s1  }
0xa: {  	[smem:$0x3FB0] =	sst s2  }
0xb: {  	[smem:$0x3FB1] =	sst s3  }
0xc: {  	[smem:$0x3FB2] =	sst s4  }
0xd: {  	[smem:$0x3FB3] =	sst s5  }
0xe: {  	[smem:$0x3FB4] =	sst s6  }
0xf: {  	[smem:$0x3FB5] =	sst s7  }
0x10: {  	[smem:$0x3FB6] =	sst s8  }
0x11: {  	[smem:$0x3FB7] =	sst s9;
	s0 =	simm.s32 @!p0 $0x0  }
0x12: {  	s1 =	sld [smem:$0x3F9D];
	s0 =	simm.s32 @p0 $0x1  }
0x13: {  	[smem:$0x3FB8] =	sst s0;
	s0 =	simm.s32 @!p1 $0x0  }
0x14: {  	s2 =	sld [smem:$0x3F9C];
	s0 =	simm.s32 @p1 $0x1  }
0x15: {  	[smem:$0x3FB9] =	sst s0;
	s0 =	simm.s32 @!p2 $0x0  }
0x16: {  	s3 =	sld [smem:$0x3FDB];
	s0 =	simm.s32 @p2 $0x1  }
0x17: {  	s4 =	simm.s32 $0x1BF5;
	[smem:$0x3FBB] =	sst s0  }
0x18: {  	s0 =	sld [smem:$0x3F9E];
	_ =	swait.ge [sflag:s4], $0x0  }
0x19: {  	s7 =	sld [smem:$0x3F9F]  }
0x1a: {  	s8 =	sadd.s32 $0xFFFFE003, lr  }
0x1b: {  	s9 =	sadd.s32 $0xFFFFFEF7, lr;
	s5 =	simm.s32 $0xFFFFFFFF;
	p2 =	slt.u32 s8, $0xFFFFF086  }
0x1c: {  	p1 =	slt.u32 s9, $0xF7A;
	s5 =	simm.s32 @!p2 $0x0  }
0x1d: {  	s5 =	simm.s32 @p1 $0x1;
	p0 =	seq.s32 s7, s2  }
0x1e: {  	s7 =	smul.u32 @!p0 $0xF7A, s2;
	p2 =	seq.s32 @!p0 s5, $0x0  }
0x1f: {  	s9 =	smul.u32 $0xF7A, s1;
	s8 =	simm.s32 @!p0 $0x1BF5;
	p2 =	por !p2, p0  }
0x20: {  	[sflag:s8] =	ssyncset.s32 @!p0 $0xFFFFF086;
	s6 =	sadd.s32 @!p0 s3, s7;
	s7 =	simm.s32 @!p0 $0x108  }
0x21: {  	s3 =	sadd.s32 s3, s9;
	s6 =	sadd.s32 @!p0 $0x88, s6;
	s7 =	simm.s32 @p2 $0x1082  }
0x22: {  	[simem:s7], [sflag:s8] =	dma.local @!p0 [hbm:s6], $0xF7A  }
0x23: {  	s9 =	sor.u32 $0xD0000000, s2;
	s6 =	simm.s32 $0x108;
	_ =	swait.ge @!p0 [sflag:s8], $0x0  }
0x24: {  	s3 =	sadd.s32 $0x88, s3;
	s6 =	simm.s32 @!p1 $0x1082;
	[sflag:s4] =	ssyncset.s32 $0xFFFFF086  }
0x25: {  	[simem:s6], [sflag:s4] =	dma.local [hbm:s3], $0xF7A  }
0x26: {  	[smem:$0x3F9F] =	sst s1;
	(tag) =	ssettag s2;
	_ =	strace s9  }
0x27: {  	s1 =	sld [smem:$0x3FAF]  }
0x28: {  	s2 =	sld [smem:$0x3FB0]  }
0x29: {  	s4 =	sld [smem:$0x3FB2]  }
0x2a: {  	p0 =	seq.s32 s5, $0x0;
	s5 =	sld [smem:$0x3FB3]  }
0x2b: {  	s6 =	sld [smem:$0x3FB4]  }
0x2c: {  	s7 =	sld [smem:$0x3FB5]  }
0x2d: {  	s3 =	simm.s32 $0x108;
	s8 =	sld [smem:$0x3FB6]  }
0x2e: {  	s3 =	simm.s32 @!p0 $0x1082;
	s9 =	sld [smem:$0x3FB7]  }
0x2f: {  	lr =	sadd.s32 s0, s3;
	s0 =	sld [smem:$0x3FAE]  }
0x30: {  	s3 =	sld [smem:$0x3FB1]  }
0x31: {  	[smem:$0x3FBA] =	sst s10  }
0x32: {  	s10 =	sld [smem:$0x3FB8];
	_ =	sdelay $0x3  }
0x33: {  	p0 =	seq.s32 s10, $0x1;
	s10 =	sld [smem:$0x3FBA];
	_ =	sdelay $0x3  }
0x34: {  	[smem:$0x3FBA] =	sst s10  }
0x35: {  	s10 =	sld [smem:$0x3FB9];
	_ =	sdelay $0x3  }
0x36: {  	p1 =	seq.s32 s10, $0x1;
	s10 =	sld [smem:$0x3FBA];
	_ =	sdelay $0x3  }
0x37: {  	[smem:$0x3FBA] =	sst s10  }
0x38: {  	s10 =	sld [smem:$0x3FBB]  }
0x39: {  	_ = 	snop;
	(pc) =	sbr.ind lr, $3  }
0x3a: {  	_ = 	snop  }
0x3b: {  	_ = 	snop  }
0x3c: {  	p2 =	seq.s32 s10, $0x1;
	s10 =	sld [smem:$0x3FBA]  }
0x3d: {  	_ =	shalt  }
0x3e: {  	_ =	shalt  }
0x3f: {  	_ =	shalt  }
0x40: {  	_ =	shalt  }
0x41: {  	_ =	shalt  }
0x42: {  	_ =	shalt  }
0x43: {  	_ =	shalt  }
0x44: {  	_ =	shalt  }
0x45: {  	_ =	shalt  }
0x46: {  	_ =	shalt  }
0x47: {  	_ =	shalt  }
0x48: {  	_ =	shalt  }
0x49: {  	_ =	shalt  }
0x4a: {  	_ =	shalt  }
0x4b: {  	_ =	shalt  }
0x4c: {  	_ =	shalt  }
0x4d: {  	_ =	shalt  }
0x4e: {  	_ =	shalt  }
0x4f: {  	_ =	shalt  }
0x50: {  	_ =	shalt  }
0x51: {  	_ =	shalt  }
0x52: {  	_ =	shalt  }
0x53: {  	_ =	shalt  }
0x54: {  	_ =	shalt  }
0x55: {  	_ =	shalt  }
0x56: {  	_ =	shalt  }
0x57: {  	_ =	shalt  }
0x58: {  	_ =	shalt  }
0x59: {  	_ =	shalt  }
0x5a: {  	_ =	shalt  }
0x5b: {  	_ =	shalt  }
0x5c: {  	_ =	shalt  }
0x5d: {  	_ =	shalt  }
0x5e: {  	_ =	shalt  }
0x5f: {  	_ =	shalt  }
0x60: {  	_ =	shalt  }
0x61: {  	_ =	shalt  }
0x62: {  	_ =	shalt  }
0x63: {  	_ =	shalt  }
0x64: {  	_ =	shalt  }
0x65: {  	_ =	shalt  }
0x66: {  	_ =	shalt  }
0x67: {  	_ =	shalt  }
0x68: {  	_ =	shalt  }
0x69: {  	_ =	shalt  }
0x6a: {  	_ =	shalt  }
0x6b: {  	_ =	shalt  }
0x6c: {  	_ =	shalt  }
0x6d: {  	_ =	shalt  }
0x6e: {  	_ =	shalt  }
0x6f: {  	_ =	shalt  }
0x70: {  	_ =	shalt  }
0x71: {  	_ =	shalt  }
0x72: {  	_ =	shalt  }
0x73: {  	_ =	shalt  }
0x74: {  	_ =	shalt  }
0x75: {  	_ =	shalt  }
0x76: {  	_ =	shalt  }
0x77: {  	_ =	shalt  }
0x78: {  	_ =	shalt  }
0x79: {  	_ =	shalt  }
0x7a: {  	_ =	shalt  }
0x7b: {  	_ =	shalt  }
0x7c: {  	_ =	shalt  }
0x7d: {  	_ =	shalt  }
0x7e: {  	_ =	shalt  }
0x7f: {  	_ =	shalt  }
0x80: {  	_ =	shalt  }
0x81: {  	_ =	shalt  }
0x82: {  	_ =	shalt  }
0x83: {  	_ =	shalt  }
0x84: {  	_ =	shalt  }
0x85: {  	_ =	shalt  }
0x86: {  	_ =	shalt  }
0x87: {  	_ =	shalt  }
.Lfunc_end0:
.L_simem_size_0:
called_computation_lowered:
.L_overlay_start_0:
0x88: {  	s2 =	sld [smem:$0x3FD9]  }
0x89: {  	s3 =	sld [smem:$0x3FFE];
	_ =	sdelay $0x1  }
0x8a: {  	s1 =	srdreg.scid  }
0x8b: {  	s0 =	sand.u32 $0x1, s1  }
0x8c: {  	s14 =	sshll.u32 s0, $0xA;
	s2 =	sadd.s32 s3, s2  }
0x8d: {  	s2 =	sadd.s32 s2, s14  }
0x8e: {  	[smem:$0x3FC6] =	sst s2  }
0x8f: {  	_ = 	snop  }
0x90: {  	s2 =	sld [smem:$0x3FD0];
	_ =	sdelay $0x2  }
0x91: {  	s15 =	simm.s32 $0xA;
	s4 =	simm.s32 $0x10  }
0x92: {  	[smem:s4], [sflag:s15] =	dma.local [hbm:s2], $0x1  }
0x93: {  	_ =	swait.eq [sflag:s15], $0x1  }
0x94: {  	[sflag:s15] =	ssyncset.done $0x0  }
0x95: {  	s16 =	sld [smem:$0x10];
	[sflag:s15] =	ssyncadd.s32 $0xFFFFFFFF  }
0x96: {  	s17 =	sld [smem:$0x12];
	(tm) =	ssettm $0x1  }
0x97: {  	s18 =	sld [smem:$0x3FFB];
	_ =	sdelay $0x3  }
0x98: {  	_ =	strace s18  }
0x99: {  	s4 =	sld [smem:$0x3FFC];
	_ =	sdelay $0x3  }
0x9a: {  	_ =	strace s4  }
0x9b: {  	s4 =	sld [smem:$0x3FFD];
	_ =	sdelay $0x3  }
0x9c: {  	_ =	strace s4  }
0x9d: {  	_ =	strace $0x8FFFFFFF  }
0x9e: {  	s19 =	sld [smem:$0x3FDB];
	_ =	sdelay $0x1  }
0x9f: {  	s5 =	simm.s32 $_scs_section_size  }
0xa0: {  	s6 =	simm.s32 $_size__tile_overlayer_lowered;
	s7 =	simm.s32 $_tile_overlayer_lowered  }
0xa1: {  	s22 =	simm.s32 $0x1BFF;
	s21 =	sshll.u32 s7, $0x1;
	s4 =	sadd.s32 s5, s19  }
0xa2: {  	s8 =	simm.s32 $0x0;
	s20 =	sshll.u32 s6, $0x1;
	s6 =	sadd.s32 s21, s4  }
0xa3: {  	[timem:s8], [sflag:s22] =	dma.local [hbm:s6], s20  }
0xa4: {  	_ =	swait.ge [sflag:s22], s20  }
0xa5: {  	s5 =	ssub.s32 $0x0, s20;
	[sflag:s22] =	ssyncset.done $0x0  }
0xa6: {  	[sflag:s22] =	ssyncadd.s32 s5;
	_ =	sdelay $0x1  }
0xa7: {  	s23 =	simm.s32 $0x1B8B  }
0xa8: {  	_ =	swait.ge [sflag:s23], $0x1  }
0xa9: {  	[sflag:s23] =	ssyncset.done $0x0  }
0xaa: {  	s25 =	simm.s32 $0x1B8E;
	s24 =	sld [smem:$0x3FFE];
	[sflag:s23] =	ssyncadd.s32 $0xFFFFFFFF  }
0xab: {  	s26 =	simm.s32 $execute0_lowered;
	[smem:$0x3FD2] =	sst s25  }
0xac: {  	s6 =	sshll.u32 s26, $0x1;
	_ =	strace $0x80000046;
	[dreg:$0x1] =	wrdreg $0xFFFFFFFF  }
0xad: {  	s28 =	simm.s32 $_size_execute0_lowered;
	s4 =	sadd.s32 s4, s6;
	[dreg:$0x0] =	wrdreg $0x0  }
0xae: {  	s6 =	sshll.u32 s28, $0x1;
	[dreg:$0x2] =	wrdreg s4  }
0xaf: {  	[dreg:$0x3] =	wrdreg s6  }
0xb0: {  	[dreg:$0x4] =	wrdreg $0xC0  }
0xb1: {  	_ =	task [dreg:s8], $0x5FFFF  }
0xb2: {  	[dreg:$0x1] =	wrdreg $0xFFFFFFFF  }
0xb3: {  	[dreg:$0x0] =	wrdreg $0x60  }
0xb4: {  	[dreg:$0x2] =	wrdreg s24  }
0xb5: {  	[dreg:$0x3] =	wrdreg s16  }
0xb6: {  	[dreg:$0x4] =	wrdreg s17  }
0xb7: {  	[dreg:$0x5] =	wrdreg $0x9  }
0xb8: {  	_ =	task.clear_ibuf [dreg:s8], $0x6FFFF;
	_ =	strace $0x90000046  }
0xb9: {  	s29 =	simm.s32 $0x9;
	_ =	strace $0x80000048  }
0xba: {  	_ =	swait.ge [sflag:s29], $0x1  }
0xbb: {  	[sflag:s29] =	ssyncadd.s32 $0xFFFFFFFF  }
0xbc: {  	_ =	strace $0x90000048  }
0xbd: {  	_ =	sfence  }
0xbe: {  	s30 =	sld [smem:$0x0];
	_ =	sdelay $0x2  }
0xbf: {  	s31 =	sshll.u32 s1, $0xD;
	s1 =	sshrl.u32 s1, $0x2  }
0xc0: {  	s3 =	sand.u32 $0x4000, s31;
	s1 =	sadd.s32 s1, s30  }
0xc1: {  	s0 =	sor.u32 s3, s0;
	s1 =	sshll.u32 s1, $0x11  }
0xc2: {  	s0 =	sor.u32 s1, s0  }
0xc3: {  	s0 =	sadd.s32 $0x8F2B, s0  }
0xc4: {  	[sflag:s0] =	ssyncadd.remote.s32 $0x1  }
0xc5: {  	_ =	sfence.sel $0xFFFF  }
0xc6: {  	[dreg:$0x0] =	wrdreg $0xFFFFFFFF;
	(pc) =	sbr.abs _section_cstart, $3  }
0xc7: {  	[dreg:$0x1] =	wrdreg $0xFFFFFFFF  }
0xc8: {  	_ =	task.clear_ibuf [dreg:s8], $0x2FFFF;
	_ =	strace $0x9FFFFFFF  }
0xc9: {  	(tm) =	ssettm $0x7FFFFFFF  }
tec
execute0_lowered:
.L_overlay_start_1:
0x0: {  	(tag) =	ssettag $0x1  }
0x1: {  	s0 =	srdreg.scid;
	s4 =	rddreg [dreg:$0x0]  }
0x2: {  	s2 =	stileid.u32;
	s6 =	rddreg [dreg:$0x2]  }
0x3: {  	s3 =	simm.s32 $0x0;
	s1 =	sand.u32 $0x1, s0;
	s8 =	sshll.u32 s2, $0x1  }
0x4: {  	s25 =	simm.s32 $0x1900;
	s2 =	rddreg [dreg:$0x1];
	s0 =	sor.u32 s1, s8  }
0x5: {  	s26 =	simm.s32 $0x2900;
	[smem:$0x7FF] =	sst s3;
	s5 =	smul.u32 $0x120, s0  }
0x6: {  	_ =	strace $0x80000047;
	[dreg:$0x14] =	wrdreg s25;
	s0 =	smul.u32 $0x2400, s0  }
0x7: {  	[dreg:$0x15] =	wrdreg s26;
	s8 =	simm.s32 $0x4900;
	s5 =	sadd.s32 s5, s4  }
0x8: {  	[dreg:$0x19] =	wrdreg s8;
	s7 =	sshrl.u32 s0, $0x3;
	s9 =	sadd.s32 $0x1600, s5  }
0x9: {  	s7 =	sadd.s32 s7, s4;
	s5 =	simm.s32 $0x180;
	[dreg:$0x4] =	wrdreg s9  }
0xa: {  	s4 =	sadd.s32 s6, s0;
	s6 =	simm.s32 $0x3900;
	[dreg:$0x16] =	wrdreg s5  }
0xb: {  	s10 =	sadd.s32 $0x3A00, s7;
	[dreg:$0x17] =	wrdreg s6  }
0xc: {  	s11 =	sadd.s32 $0xCA00, s7;
	[dreg:$0x5] =	wrdreg s10  }
0xd: {  	s12 =	sadd.s32 $0x4, s4;
	[dreg:$0x6] =	wrdreg s11  }
0xe: {  	s13 =	sadd.s32 $0x15A00, s7;
	[dreg:$0x7] =	wrdreg s12  }
0xf: {  	s14 =	sadd.s32 $0x8, s4;
	[dreg:$0x8] =	wrdreg s13  }
0x10: {  	s15 =	sadd.s32 $0x1EA00, s7;
	[dreg:$0x9] =	wrdreg s14  }
0x11: {  	s16 =	sadd.s32 $0xC, s4;
	[dreg:$0xa] =	wrdreg s15  }
0x12: {  	s17 =	sadd.s32 $0x27A00, s7;
	[dreg:$0xb] =	wrdreg s16  }
0x13: {  	s18 =	sadd.s32 $0x10, s4;
	[dreg:$0xc] =	wrdreg s17  }
0x14: {  	s19 =	sadd.s32 $0x30A00, s7;
	[dreg:$0xd] =	wrdreg s18  }
0x15: {  	s20 =	sadd.s32 $0x14, s4;
	[dreg:$0xe] =	wrdreg s19  }
0x16: {  	s21 =	sadd.s32 $0x39A00, s7;
	[dreg:$0xf] =	wrdreg s20  }
0x17: {  	s22 =	sadd.s32 $0x18, s4;
	[dreg:$0x10] =	wrdreg s21  }
0x18: {  	s23 =	sadd.s32 $0x42A00, s7;
	[dreg:$0x11] =	wrdreg s22  }
0x19: {  	s24 =	sadd.s32 $0x1C, s4;
	[dreg:$0x12] =	wrdreg s23  }
0x1a: {  	s7 =	simm.s32 $0x200;
	[dreg:$0x13] =	wrdreg s24  }
0x1b: {  	s9 =	simm.s32 $0x280;
	[dreg:$0x18] =	wrdreg s7  }
0x1c: {  	[dreg:$0x1a] =	wrdreg s9  }
0x1d: {  	s10 =	simm.s32 $0x5900;
	s20 =	rddreg [dreg:$0x4]  }
0x1e: {  	s11 =	simm.s32 $0x300;
	[dreg:$0x1b] =	wrdreg s10  }
0x1f: {  	s12 =	simm.s32 $0x6900;
	[dreg:$0x1c] =	wrdreg s11  }
0x20: {  	s13 =	simm.s32 $0x380;
	[dreg:$0x1d] =	wrdreg s12  }
0x21: {  	s14 =	simm.s32 $0x7900;
	[dreg:$0x1e] =	wrdreg s13  }
0x22: {  	s15 =	simm.s32 $0x400;
	[dreg:$0x1f] =	wrdreg s14  }
0x23: {  	s16 =	simm.s32 $0x8900;
	[smem:$0x7FA] =	sst s15  }
0x24: {  	s17 =	simm.s32 $0x480;
	[smem:$0x7F9] =	sst s16  }
0x25: {  	s18 =	simm.s32 $0x500;
	[smem:$0x7F8] =	sst s17  }
0x26: {  	s19 =	simm.s32 $0xA900;
	[smem:$0x7FC] =	sst s18  }
0x27: {  	s21 =	simm.s32 $0x580;
	[smem:$0x7FB] =	sst s19  }
0x28: {  	s5 =	simm.s32 $0x2;
	[smem:$0x7FD] =	sst s21  }
0x29: {  	[tilespmem:s3], [sflag:$0x2] =	stream.linear.gather [hbm4b:s20+s3], $0x900, $0x38;
	[tilespmem:$0x12900] =	vst v63  }
0x2a: {  	_ =	swait.ge [sflag:s5], $0x900  }
0x2b: {  	s22 =	sld [smem:$0x7F8]  }
0x2c: {  	s9 =	sld [smem:$0x7F9]  }
0x2d: {  	s10 =	rddreg [dreg:$0x1f]  }
0x2e: {  	s11 =	rddreg [dreg:$0x1d]  }
0x2f: {  	s12 =	rddreg [dreg:$0x1b]  }
0x30: {  	s13 =	rddreg [dreg:$0x15]  }
0x31: {  	s8 =	simm.s32 $0x900;
	[sflag:s5] =	ssyncset.done $0x0;
	s23 =	rddreg [dreg:$0x14]  }
0x32: {  	s6 =	simm.s32 $0x80;
	s14 =	rddreg [dreg:$0x17];
	[sflag:s5] =	ssyncadd.s32 $0xFFFFF700  }
0x33: {  	[tilespmem:s8], [sflag:$0x1] =	stream.indirect.gather [hbm4b:s2+s6], $0x20, s3, s6, $0xb8;
	[tilespmem:$0x12900] =	vst v63  }
0x34: {  	s15 =	rddreg [dreg:$0x19]  }
0x35: {  	[tilespmem:s23], [sflag:$0x1] =	stream.indirect.gather [hbm4b:s2+s6], $0x20, s6, s6, $0xb8;
	[tilespmem:$0x12900] =	vst v63  }
0x36: {  	s7 =	simm.s32 $0x100;
	s16 =	rddreg [dreg:$0x16]  }
0x37: {  	[tilespmem:s13], [sflag:$0x1] =	stream.indirect.gather [hbm4b:s2+s6], $0x20, s7, s6, $0xb8;
	[tilespmem:$0x12900] =	vst v63  }
0x38: {  	s24 =	rddreg [dreg:$0x18]  }
0x39: {  	[tilespmem:s14], [sflag:$0x1] =	stream.indirect.gather [hbm4b:s2+s6], $0x20, s16, s6, $0xb8;
	[tilespmem:$0x12900] =	vst v63  }
0x3a: {  	s25 =	rddreg [dreg:$0x1a]  }
0x3b: {  	[tilespmem:s15], [sflag:$0x1] =	stream.indirect.gather [hbm4b:s2+s6], $0x20, s24, s6, $0xb8;
	[tilespmem:$0x12900] =	vst v63  }
0x3c: {  	s26 =	rddreg [dreg:$0x1c]  }
0x3d: {  	[tilespmem:s12], [sflag:$0x1] =	stream.indirect.gather [hbm4b:s2+s6], $0x20, s25, s6, $0xb8;
	[tilespmem:$0x12900] =	vst v63  }
0x3e: {  	s16 =	sld [smem:$0x7FA]  }
0x3f: {  	[tilespmem:s11], [sflag:$0x1] =	stream.indirect.gather [hbm4b:s2+s6], $0x20, s26, s6, $0xb8;
	[tilespmem:$0x12900] =	vst v63  }
0x40: {  	s15 =	rddreg [dreg:$0x1e]  }
0x41: {  	[tilespmem:s10], [sflag:$0x1] =	stream.indirect.gather [hbm4b:s2+s6], $0x20, s15, s6, $0xb8;
	[tilespmem:$0x12900] =	vst v63  }
0x42: {  	s17 =	sld [smem:$0x7FB]  }
0x43: {  	[tilespmem:s9], [sflag:$0x1] =	stream.indirect.gather [hbm4b:s2+s6], $0x20, s16, s6, $0xb8;
	[tilespmem:$0x12900] =	vst v63  }
0x44: {  	s18 =	sld [smem:$0x7FC];
	s9 =	simm.s32 $0x9900  }
0x45: {  	[tilespmem:s9], [sflag:$0x1] =	stream.indirect.gather [hbm4b:s2+s6], $0x20, s22, s6, $0xb8;
	[tilespmem:$0x12900] =	vst v63  }
0x46: {  	s19 =	sld [smem:$0x7FD]  }
0x47: {  	[tilespmem:s17], [sflag:$0x1] =	stream.indirect.gather [hbm4b:s2+s6], $0x20, s18, s6, $0xb8;
	[tilespmem:$0x12900] =	vst v63  }
0x48: {  	s20 =	simm.s32 $0xB900  }
0x49: {  	[tilespmem:s20], [sflag:$0x1] =	stream.indirect.gather [hbm4b:s2+s6], $0x20, s19, s6, $0xb8;
	[tilespmem:$0x12900] =	vst v63  }
0x4a: {  	s21 =	simm.s32 $0x600;
	s22 =	simm.s32 $0xC900  }
0x4b: {  	[tilespmem:s22], [sflag:$0x1] =	stream.indirect.gather [hbm4b:s2+s6], $0x20, s21, s6, $0xb8;
	[tilespmem:$0x12900] =	vst v63  }
0x4c: {  	s23 =	simm.s32 $0x680;
	s24 =	simm.s32 $0xD900  }
0x4d: {  	[tilespmem:s24], [sflag:$0x1] =	stream.indirect.gather [hbm4b:s2+s6], $0x20, s23, s6, $0xb8;
	[tilespmem:$0x12900] =	vst v63  }
0x4e: {  	s25 =	simm.s32 $0x700;
	s26 =	simm.s32 $0xE900  }
0x4f: {  	[tilespmem:s26], [sflag:$0x1] =	stream.indirect.gather [hbm4b:s2+s6], $0x20, s25, s6, $0xb8;
	[tilespmem:$0x12900] =	vst v63  }
0x50: {  	s11 =	simm.s32 $0x780;
	s18 =	simm.s32 $0xF900  }
0x51: {  	[tilespmem:s18], [sflag:$0x1] =	stream.indirect.gather [hbm4b:s2+s6], $0x20, s11, s6, $0xb8;
	[tilespmem:$0x12900] =	vst v63  }
0x52: {  	s19 =	simm.s32 $0x800;
	s20 =	simm.s32 $0x10900  }
0x53: {  	[tilespmem:s20], [sflag:$0x1] =	stream.indirect.gather [hbm4b:s2+s6], $0x20, s19, s6, $0xb8;
	[tilespmem:$0x12900] =	vst v63  }
0x54: {  	s21 =	simm.s32 $0x880;
	s22 =	simm.s32 $0x11900;
	s23 =	simm.s32 $0x1  }
0x55: {  	[tilespmem:s22], [sflag:$0x1] =	stream.indirect.gather [hbm4b:s2+s6], $0x20, s21, s6, $0xb8;
	[tilespmem:$0x12900] =	vst v63  }
0x56: {  	_ =	swait.ge [sflag:s23], $0x1000  }
0x57: {  	[sflag:s23] =	ssyncset.done $0x0  }
0x58: {  	[sflag:s23] =	ssyncadd.s32 $0xFFFFF000  }
0x59: {  	_ =	swait.ge [sflag:s23], $0x1000  }
0x5a: {  	[sflag:s23] =	ssyncset.done $0x0  }
0x5b: {  	[sflag:s23] =	ssyncadd.s32 $0xFFFFF000  }
0x5c: {  	_ =	swait.ge [sflag:s23], $0x1000  }
0x5d: {  	[sflag:s23] =	ssyncset.done $0x0  }
0x5e: {  	[sflag:s23] =	ssyncadd.s32 $0xFFFFF000  }
0x5f: {  	_ =	swait.ge [sflag:s23], $0x1000  }
0x60: {  	[sflag:s23] =	ssyncset.done $0x0  }
0x61: {  	[sflag:s23] =	ssyncadd.s32 $0xFFFFF000  }
0x62: {  	_ =	swait.ge [sflag:s23], $0x1000  }
0x63: {  	[sflag:s23] =	ssyncset.done $0x0  }
0x64: {  	[sflag:s23] =	ssyncadd.s32 $0xFFFFF000  }
0x65: {  	_ =	swait.ge [sflag:s23], $0x1000  }
0x66: {  	[sflag:s23] =	ssyncset.done $0x0  }
0x67: {  	[sflag:s23] =	ssyncadd.s32 $0xFFFFF000  }
0x68: {  	_ =	swait.ge [sflag:s23], $0x1000  }
0x69: {  	[sflag:s23] =	ssyncset.done $0x0  }
0x6a: {  	[sflag:s23] =	ssyncadd.s32 $0xFFFFF000  }
0x6b: {  	_ =	swait.ge [sflag:s23], $0x1000  }
0x6c: {  	[sflag:s23] =	ssyncset.done $0x0  }
0x6d: {  	[sflag:s23] =	ssyncadd.s32 $0xFFFFF000  }
0x6e: {  	_ =	swait.ge [sflag:s23], $0x1000  }
0x6f: {  	[sflag:s23] =	ssyncset.done $0x0  }
0x70: {  	[sflag:s23] =	ssyncadd.s32 $0xFFFFF000  }
0x71: {  	_ =	swait.ge [sflag:s23], $0x1000  }
0x72: {  	[sflag:s23] =	ssyncset.done $0x0  }
0x73: {  	[sflag:s23] =	ssyncadd.s32 $0xFFFFF000  }
0x74: {  	_ =	swait.ge [sflag:s23], $0x1000  }
0x75: {  	[sflag:s23] =	ssyncset.done $0x0  }
0x76: {  	[sflag:s23] =	ssyncadd.s32 $0xFFFFF000  }
0x77: {  	_ =	swait.ge [sflag:s23], $0x1000  }
0x78: {  	[sflag:s23] =	ssyncset.done $0x0  }
0x79: {  	[sflag:s23] =	ssyncadd.s32 $0xFFFFF000  }
0x7a: {  	_ =	swait.ge [sflag:s23], $0x1000  }
0x7b: {  	[sflag:s23] =	ssyncset.done $0x0  }
0x7c: {  	[sflag:s23] =	ssyncadd.s32 $0xFFFFF000  }
0x7d: {  	_ =	swait.ge [sflag:s23], $0x1000  }
0x7e: {  	[sflag:s23] =	ssyncset.done $0x0  }
0x7f: {  	[sflag:s23] =	ssyncadd.s32 $0xFFFFF000  }
0x80: {  	_ =	swait.ge [sflag:s23], $0x1000  }
0x81: {  	[sflag:s23] =	ssyncset.done $0x0  }
0x82: {  	[sflag:s23] =	ssyncadd.s32 $0xFFFFF000  }
0x83: {  	_ =	swait.ge [sflag:s23], $0x1000  }
0x84: {  	[sflag:s23] =	ssyncset.done $0x0  }
0x85: {  	[sflag:s23] =	ssyncadd.s32 $0xFFFFF000  }
0x86: {  	_ =	swait.ge [sflag:s23], $0x1000  }
0x87: {  	[sflag:s23] =	ssyncset.done $0x0  }
0x88: {  	[sflag:s23] =	ssyncadd.s32 $0xFFFFF000  }
0x89: {  	_ =	swait.ge [sflag:s23], $0x1000  }
0x8a: {  	[sflag:s23] =	ssyncset.done $0x0  }
0x8b: {  	s12 =	rddreg [dreg:$0x5];
	[sflag:s23] =	ssyncadd.s32 $0xFFFFF000  }
0x8c: {  	[hbm4b:s12+s3] =	stream.linear.scatter [tilespmem:s8], [sflag:$0x2], $0x2400, $0x38;
	[tilespmem:$0x12900] =	vst v63  }
0x8d: {  	_ =	swait.ge [sflag:s5], $0x2400  }
0x8e: {  	[sflag:s5] =	ssyncset.done $0x0  }
0x8f: {  	s24 =	simm.s32 $0x20;
	[sflag:s5] =	ssyncadd.s32 $0xFFFFDC00  }
0x90: {  	[hbm4b:s4+s24] =	stream.strided.scatter [tilespmem:s8], [sflag:$0x2], $0x2400, s7, s24, $0x38;
	[tilespmem:$0x12900] =	vst v63  }
0x91: {  	_ =	swait.ge [sflag:s5], $0x2400  }
0x92: {  	[sflag:s5] =	ssyncset.done $0x0  }
0x93: {  	s25 =	simm.s32 $0x2D00;
	s13 =	rddreg [dreg:$0x6];
	[sflag:s5] =	ssyncadd.s32 $0xFFFFDC00  }
0x94: {  	[hbm4b:s13+s3] =	stream.linear.scatter [tilespmem:s25], [sflag:$0x2], $0x2400, $0x38;
	[tilespmem:$0x12900] =	vst v63  }
0x95: {  	_ =	swait.ge [sflag:s5], $0x2400  }
0x96: {  	[sflag:s5] =	ssyncset.done $0x0  }
0x97: {  	s14 =	rddreg [dreg:$0x7];
	[sflag:s5] =	ssyncadd.s32 $0xFFFFDC00  }
0x98: {  	[hbm4b:s14+s24] =	stream.strided.scatter [tilespmem:s25], [sflag:$0x2], $0x2400, s7, s24, $0x38;
	[tilespmem:$0x12900] =	vst v63  }
0x99: {  	_ =	swait.ge [sflag:s5], $0x2400  }
0x9a: {  	[sflag:s5] =	ssyncset.done $0x0  }
0x9b: {  	s26 =	simm.s32 $0x5100;
	s15 =	rddreg [dreg:$0x8];
	[sflag:s5] =	ssyncadd.s32 $0xFFFFDC00  }
0x9c: {  	[hbm4b:s15+s3] =	stream.linear.scatter [tilespmem:s26], [sflag:$0x2], $0x2400, $0x38;
	[tilespmem:$0x12900] =	vst v63  }
0x9d: {  	_ =	swait.ge [sflag:s5], $0x2400  }
0x9e: {  	[sflag:s5] =	ssyncset.done $0x0  }
0x9f: {  	s16 =	rddreg [dreg:$0x9];
	[sflag:s5] =	ssyncadd.s32 $0xFFFFDC00  }
0xa0: {  	[hbm4b:s16+s24] =	stream.strided.scatter [tilespmem:s26], [sflag:$0x2], $0x2400, s7, s24, $0x38;
	[tilespmem:$0x12900] =	vst v63  }
0xa1: {  	_ =	swait.ge [sflag:s5], $0x2400  }
0xa2: {  	[sflag:s5] =	ssyncset.done $0x0  }
0xa3: {  	s28 =	simm.s32 $0x7500;
	s17 =	rddreg [dreg:$0xa];
	[sflag:s5] =	ssyncadd.s32 $0xFFFFDC00  }
0xa4: {  	[hbm4b:s17+s3] =	stream.linear.scatter [tilespmem:s28], [sflag:$0x2], $0x2400, $0x38;
	[tilespmem:$0x12900] =	vst v63  }
0xa5: {  	_ =	swait.ge [sflag:s5], $0x2400  }
0xa6: {  	[sflag:s5] =	ssyncset.done $0x0  }
0xa7: {  	s10 =	rddreg [dreg:$0xb];
	[sflag:s5] =	ssyncadd.s32 $0xFFFFDC00  }
0xa8: {  	[hbm4b:s10+s24] =	stream.strided.scatter [tilespmem:s28], [sflag:$0x2], $0x2400, s7, s24, $0x38;
	[tilespmem:$0x12900] =	vst v63  }
0xa9: {  	_ =	swait.ge [sflag:s5], $0x2400  }
0xaa: {  	[sflag:s5] =	ssyncset.done $0x0  }
0xab: {  	s11 =	rddreg [dreg:$0xc];
	[sflag:s5] =	ssyncadd.s32 $0xFFFFDC00  }
0xac: {  	[hbm4b:s11+s3] =	stream.linear.scatter [tilespmem:s9], [sflag:$0x2], $0x2400, $0x38;
	[tilespmem:$0x12900] =	vst v63  }
0xad: {  	_ =	swait.ge [sflag:s5], $0x2400  }
0xae: {  	[sflag:s5] =	ssyncset.done $0x0  }
0xaf: {  	s12 =	rddreg [dreg:$0xd];
	[sflag:s5] =	ssyncadd.s32 $0xFFFFDC00  }
0xb0: {  	[hbm4b:s12+s24] =	stream.strided.scatter [tilespmem:s9], [sflag:$0x2], $0x2400, s7, s24, $0x38;
	[tilespmem:$0x12900] =	vst v63  }
0xb1: {  	_ =	swait.ge [sflag:s5], $0x2400  }
0xb2: {  	[sflag:s5] =	ssyncset.done $0x0  }
0xb3: {  	s29 =	simm.s32 $0xBD00;
	s13 =	rddreg [dreg:$0xe];
	[sflag:s5] =	ssyncadd.s32 $0xFFFFDC00  }
0xb4: {  	[hbm4b:s13+s3] =	stream.linear.scatter [tilespmem:s29], [sflag:$0x2], $0x2400, $0x38;
	[tilespmem:$0x12900] =	vst v63  }
0xb5: {  	_ =	swait.ge [sflag:s5], $0x2400  }
0xb6: {  	[sflag:s5] =	ssyncset.done $0x0  }
0xb7: {  	s14 =	rddreg [dreg:$0xf];
	[sflag:s5] =	ssyncadd.s32 $0xFFFFDC00  }
0xb8: {  	[hbm4b:s14+s24] =	stream.strided.scatter [tilespmem:s29], [sflag:$0x2], $0x2400, s7, s24, $0x38;
	[tilespmem:$0x12900] =	vst v63  }
0xb9: {  	s16 =	ssub.s32 $0x2, s1;
	_ =	swait.ge [sflag:s5], $0x2400  }
0xba: {  	s30 =	simm.s32 $0xE100;
	s31 =	sshrl.u32 s16, $0x1;
	[sflag:s5] =	ssyncset.done $0x0  }
0xbb: {  	s0 =	ssub.s32 s16, s31;
	s15 =	rddreg [dreg:$0x10];
	[sflag:s5] =	ssyncadd.s32 $0xFFFFDC00  }
0xbc: {  	[hbm4b:s15+s3] =	stream.linear.scatter [tilespmem:s30], [sflag:$0x2], $0x2400, $0x38;
	[tilespmem:$0x12900] =	vst v63  }
0xbd: {  	s0 =	smax.u32 s0, $0x1;
	_ =	swait.ge [sflag:s5], $0x2400  }
0xbe: {  	p0 =	sne.s32 s0, $0x1;
	[sflag:s5] =	ssyncset.done $0x0  }
.Ltmp0:
0xbf: {  	s17 =	rddreg [dreg:$0x11];
	[sflag:s5] =	ssyncadd.s32 $0xFFFFDC00;
	(pc) =	sbr.rel @!p0 .LBB2_2-.Ltmp0, $4  }
0xc0: {  	[hbm4b:s17+s24] =	stream.strided.scatter [tilespmem:s30], [sflag:$0x2], $0x2400, s7, s24, $0x38;
	[tilespmem:$0x12900] =	vst v63  }
0xc1: {  	_ =	swait.ge [sflag:s5], $0x2400  }
0xc2: {  	s31 =	simm.s32 $0x10500;
	[sflag:s5] =	ssyncset.done $0x0  }
0xc3: {  	s1 =	sadd.s32 $0xFFFFFFFF, s0;
	s0 =	rddreg [dreg:$0x12];
	[sflag:s5] =	ssyncadd.s32 $0xFFFFDC00  }
.LBB2_1:
0xc4: {  	[hbm4b:s0+s3] =	stream.linear.scatter [tilespmem:s31], [sflag:$0x2], $0x2400, $0x38;
	[tilespmem:$0x12900] =	vst v63  }
0xc5: {  	_ =	swait.ge [sflag:s5], $0x2400  }
0xc6: {  	[sflag:s5] =	ssyncset.done $0x0  }
0xc7: {  	s14 =	rddreg [dreg:$0x13];
	[sflag:s5] =	ssyncadd.s32 $0xFFFFDC00  }
0xc8: {  	[hbm4b:s14+s24] =	stream.strided.scatter [tilespmem:s31], [sflag:$0x2], $0x2400, s7, s24, $0x38;
	[tilespmem:$0x12900] =	vst v63  }
0xc9: {  	_ =	swait.ge [sflag:s5], $0x2400  }
0xca: {  	[sflag:s5] =	ssyncset.done $0x0  }
0xcb: {  	s15 =	rddreg [dreg:$0x4];
	[sflag:s5] =	ssyncadd.s32 $0xFFFFDC00  }
0xcc: {  	[tilespmem:s3], [sflag:$0x2] =	stream.linear.gather [hbm4b:s15+s3], $0x900, $0x38;
	[tilespmem:$0x12900] =	vst v63  }
0xcd: {  	_ =	swait.ge [sflag:s5], $0x900  }
0xce: {  	s0 =	sld [smem:$0x7F8]  }
0xcf: {  	s10 =	sld [smem:$0x7F9]  }
0xd0: {  	s11 =	rddreg [dreg:$0x1f]  }
0xd1: {  	s12 =	rddreg [dreg:$0x1d]  }
0xd2: {  	s13 =	rddreg [dreg:$0x1b]  }
0xd3: {  	s14 =	rddreg [dreg:$0x15]  }
0xd4: {  	[sflag:s5] =	ssyncset.done $0x0;
	s15 =	rddreg [dreg:$0x14]  }
0xd5: {  	s16 =	rddreg [dreg:$0x17];
	[sflag:s5] =	ssyncadd.s32 $0xFFFFF700  }
0xd6: {  	[tilespmem:s8], [sflag:$0x1] =	stream.indirect.gather [hbm4b:s2+s6], $0x20, s3, s6, $0xb8;
	[tilespmem:$0x12900] =	vst v63  }
0xd7: {  	s17 =	rddreg [dreg:$0x19]  }
0xd8: {  	[tilespmem:s15], [sflag:$0x1] =	stream.indirect.gather [hbm4b:s2+s6], $0x20, s6, s6, $0xb8;
	[tilespmem:$0x12900] =	vst v63  }
0xd9: {  	s15 =	rddreg [dreg:$0x16]  }
0xda: {  	[tilespmem:s14], [sflag:$0x1] =	stream.indirect.gather [hbm4b:s2+s6], $0x20, s7, s6, $0xb8;
	[tilespmem:$0x12900] =	vst v63  }
0xdb: {  	s14 =	rddreg [dreg:$0x18]  }
0xdc: {  	[tilespmem:s16], [sflag:$0x1] =	stream.indirect.gather [hbm4b:s2+s6], $0x20, s15, s6, $0xb8;
	[tilespmem:$0x12900] =	vst v63  }
0xdd: {  	s15 =	rddreg [dreg:$0x1a]  }
0xde: {  	[tilespmem:s17], [sflag:$0x1] =	stream.indirect.gather [hbm4b:s2+s6], $0x20, s14, s6, $0xb8;
	[tilespmem:$0x12900] =	vst v63  }
0xdf: {  	s16 =	rddreg [dreg:$0x1c]  }
0xe0: {  	[tilespmem:s13], [sflag:$0x1] =	stream.indirect.gather [hbm4b:s2+s6], $0x20, s15, s6, $0xb8;
	[tilespmem:$0x12900] =	vst v63  }
0xe1: {  	s17 =	rddreg [dreg:$0x1e]  }
0xe2: {  	[tilespmem:s12], [sflag:$0x1] =	stream.indirect.gather [hbm4b:s2+s6], $0x20, s16, s6, $0xb8;
	[tilespmem:$0x12900] =	vst v63  }
0xe3: {  	s15 =	sld [smem:$0x7FA]  }
0xe4: {  	[tilespmem:s11], [sflag:$0x1] =	stream.indirect.gather [hbm4b:s2+s6], $0x20, s17, s6, $0xb8;
	[tilespmem:$0x12900] =	vst v63  }
0xe5: {  	s16 =	sld [smem:$0x7FB]  }
0xe6: {  	[tilespmem:s10], [sflag:$0x1] =	stream.indirect.gather [hbm4b:s2+s6], $0x20, s15, s6, $0xb8;
	[tilespmem:$0x12900] =	vst v63  }
0xe7: {  	s17 =	sld [smem:$0x7FC]  }
0xe8: {  	[tilespmem:s9], [sflag:$0x1] =	stream.indirect.gather [hbm4b:s2+s6], $0x20, s0, s6, $0xb8;
	[tilespmem:$0x12900] =	vst v63  }
0xe9: {  	s12 =	sld [smem:$0x7FD]  }
0xea: {  	[tilespmem:s16], [sflag:$0x1] =	stream.indirect.gather [hbm4b:s2+s6], $0x20, s17, s6, $0xb8;
	[tilespmem:$0x12900] =	vst v63  }
0xeb: {  	s13 =	simm.s32 $0xB900  }
0xec: {  	[tilespmem:s13], [sflag:$0x1] =	stream.indirect.gather [hbm4b:s2+s6], $0x20, s12, s6, $0xb8;
	[tilespmem:$0x12900] =	vst v63  }
0xed: {  	s14 =	simm.s32 $0x600;
	s15 =	simm.s32 $0xC900  }
0xee: {  	[tilespmem:s15], [sflag:$0x1] =	stream.indirect.gather [hbm4b:s2+s6], $0x20, s14, s6, $0xb8;
	[tilespmem:$0x12900] =	vst v63  }
0xef: {  	s16 =	simm.s32 $0x680;
	s17 =	simm.s32 $0xD900  }
0xf0: {  	[tilespmem:s17], [sflag:$0x1] =	stream.indirect.gather [hbm4b:s2+s6], $0x20, s16, s6, $0xb8;
	[tilespmem:$0x12900] =	vst v63  }
0xf1: {  	s11 =	simm.s32 $0xE900;
	s10 =	simm.s32 $0x700  }
0xf2: {  	[tilespmem:s11], [sflag:$0x1] =	stream.indirect.gather [hbm4b:s2+s6], $0x20, s10, s6, $0xb8;
	[tilespmem:$0x12900] =	vst v63  }
0xf3: {  	s12 =	simm.s32 $0x780  }
0xf4: {  	[tilespmem:s18], [sflag:$0x1] =	stream.indirect.gather [hbm4b:s2+s6], $0x20, s12, s6, $0xb8;
	[tilespmem:$0x12900] =	vst v63  }
0xf5: {  	_ = 	snop  }
0xf6: {  	[tilespmem:s20], [sflag:$0x1] =	stream.indirect.gather [hbm4b:s2+s6], $0x20, s19, s6, $0xb8;
	[tilespmem:$0x12900] =	vst v63  }
0xf7: {  	_ = 	snop  }
0xf8: {  	[tilespmem:s22], [sflag:$0x1] =	stream.indirect.gather [hbm4b:s2+s6], $0x20, s21, s6, $0xb8;
	[tilespmem:$0x12900] =	vst v63  }
0xf9: {  	_ =	swait.ge [sflag:s23], $0x1000  }
0xfa: {  	[sflag:s23] =	ssyncset.done $0x0  }
0xfb: {  	[sflag:s23] =	ssyncadd.s32 $0xFFFFF000  }
0xfc: {  	_ =	swait.ge [sflag:s23], $0x1000  }
0xfd: {  	[sflag:s23] =	ssyncset.done $0x0  }
0xfe: {  	[sflag:s23] =	ssyncadd.s32 $0xFFFFF000  }
0xff: {  	_ =	swait.ge [sflag:s23], $0x1000  }
0x100: {  	[sflag:s23] =	ssyncset.done $0x0  }
0x101: {  	[sflag:s23] =	ssyncadd.s32 $0xFFFFF000  }
0x102: {  	_ =	swait.ge [sflag:s23], $0x1000  }
0x103: {  	[sflag:s23] =	ssyncset.done $0x0  }
0x104: {  	[sflag:s23] =	ssyncadd.s32 $0xFFFFF000  }
0x105: {  	_ =	swait.ge [sflag:s23], $0x1000  }
0x106: {  	[sflag:s23] =	ssyncset.done $0x0  }
0x107: {  	[sflag:s23] =	ssyncadd.s32 $0xFFFFF000  }
0x108: {  	_ =	swait.ge [sflag:s23], $0x1000  }
0x109: {  	[sflag:s23] =	ssyncset.done $0x0  }
0x10a: {  	[sflag:s23] =	ssyncadd.s32 $0xFFFFF000  }
0x10b: {  	_ =	swait.ge [sflag:s23], $0x1000  }
0x10c: {  	[sflag:s23] =	ssyncset.done $0x0  }
0x10d: {  	[sflag:s23] =	ssyncadd.s32 $0xFFFFF000  }
0x10e: {  	_ =	swait.ge [sflag:s23], $0x1000  }
0x10f: {  	[sflag:s23] =	ssyncset.done $0x0  }
0x110: {  	[sflag:s23] =	ssyncadd.s32 $0xFFFFF000  }
0x111: {  	_ =	swait.ge [sflag:s23], $0x1000  }
0x112: {  	[sflag:s23] =	ssyncset.done $0x0  }
0x113: {  	[sflag:s23] =	ssyncadd.s32 $0xFFFFF000  }
0x114: {  	_ =	swait.ge [sflag:s23], $0x1000  }
0x115: {  	[sflag:s23] =	ssyncset.done $0x0  }
0x116: {  	[sflag:s23] =	ssyncadd.s32 $0xFFFFF000  }
0x117: {  	_ =	swait.ge [sflag:s23], $0x1000  }
0x118: {  	[sflag:s23] =	ssyncset.done $0x0  }
0x119: {  	[sflag:s23] =	ssyncadd.s32 $0xFFFFF000  }
0x11a: {  	_ =	swait.ge [sflag:s23], $0x1000  }
0x11b: {  	[sflag:s23] =	ssyncset.done $0x0  }
0x11c: {  	[sflag:s23] =	ssyncadd.s32 $0xFFFFF000  }
0x11d: {  	_ =	swait.ge [sflag:s23], $0x1000  }
0x11e: {  	[sflag:s23] =	ssyncset.done $0x0  }
0x11f: {  	[sflag:s23] =	ssyncadd.s32 $0xFFFFF000  }
0x120: {  	_ =	swait.ge [sflag:s23], $0x1000  }
0x121: {  	[sflag:s23] =	ssyncset.done $0x0  }
0x122: {  	[sflag:s23] =	ssyncadd.s32 $0xFFFFF000  }
0x123: {  	_ =	swait.ge [sflag:s23], $0x1000  }
0x124: {  	[sflag:s23] =	ssyncset.done $0x0  }
0x125: {  	[sflag:s23] =	ssyncadd.s32 $0xFFFFF000  }
0x126: {  	_ =	swait.ge [sflag:s23], $0x1000  }
0x127: {  	[sflag:s23] =	ssyncset.done $0x0  }
0x128: {  	[sflag:s23] =	ssyncadd.s32 $0xFFFFF000  }
0x129: {  	_ =	swait.ge [sflag:s23], $0x1000  }
0x12a: {  	[sflag:s23] =	ssyncset.done $0x0  }
0x12b: {  	[sflag:s23] =	ssyncadd.s32 $0xFFFFF000  }
0x12c: {  	_ =	swait.ge [sflag:s23], $0x1000  }
0x12d: {  	[sflag:s23] =	ssyncset.done $0x0  }
0x12e: {  	s13 =	rddreg [dreg:$0x5];
	[sflag:s23] =	ssyncadd.s32 $0xFFFFF000  }
0x12f: {  	[hbm4b:s13+s3] =	stream.linear.scatter [tilespmem:s8], [sflag:$0x2], $0x2400, $0x38;
	[tilespmem:$0x12900] =	vst v63  }
0x130: {  	_ =	swait.ge [sflag:s5], $0x2400  }
0x131: {  	[sflag:s5] =	ssyncset.done $0x0  }
0x132: {  	[sflag:s5] =	ssyncadd.s32 $0xFFFFDC00  }
0x133: {  	[hbm4b:s4+s24] =	stream.strided.scatter [tilespmem:s8], [sflag:$0x2], $0x2400, s7, s24, $0x38;
	[tilespmem:$0x12900] =	vst v63  }
0x134: {  	_ =	swait.ge [sflag:s5], $0x2400  }
0x135: {  	[sflag:s5] =	ssyncset.done $0x0  }
0x136: {  	s14 =	rddreg [dreg:$0x6];
	[sflag:s5] =	ssyncadd.s32 $0xFFFFDC00  }
0x137: {  	[hbm4b:s14+s3] =	stream.linear.scatter [tilespmem:s25], [sflag:$0x2], $0x2400, $0x38;
	[tilespmem:$0x12900] =	vst v63  }
0x138: {  	_ =	swait.ge [sflag:s5], $0x2400  }
0x139: {  	[sflag:s5] =	ssyncset.done $0x0  }
0x13a: {  	s15 =	rddreg [dreg:$0x7];
	[sflag:s5] =	ssyncadd.s32 $0xFFFFDC00  }
0x13b: {  	[hbm4b:s15+s24] =	stream.strided.scatter [tilespmem:s25], [sflag:$0x2], $0x2400, s7, s24, $0x38;
	[tilespmem:$0x12900] =	vst v63  }
0x13c: {  	_ =	swait.ge [sflag:s5], $0x2400  }
0x13d: {  	[sflag:s5] =	ssyncset.done $0x0  }
0x13e: {  	s16 =	rddreg [dreg:$0x8];
	[sflag:s5] =	ssyncadd.s32 $0xFFFFDC00  }
0x13f: {  	[hbm4b:s16+s3] =	stream.linear.scatter [tilespmem:s26], [sflag:$0x2], $0x2400, $0x38;
	[tilespmem:$0x12900] =	vst v63  }
0x140: {  	_ =	swait.ge [sflag:s5], $0x2400  }
0x141: {  	[sflag:s5] =	ssyncset.done $0x0  }
0x142: {  	s17 =	rddreg [dreg:$0x9];
	[sflag:s5] =	ssyncadd.s32 $0xFFFFDC00  }
0x143: {  	[hbm4b:s17+s24] =	stream.strided.scatter [tilespmem:s26], [sflag:$0x2], $0x2400, s7, s24, $0x38;
	[tilespmem:$0x12900] =	vst v63  }
0x144: {  	_ =	swait.ge [sflag:s5], $0x2400  }
0x145: {  	[sflag:s5] =	ssyncset.done $0x0  }
0x146: {  	s10 =	rddreg [dreg:$0xa];
	[sflag:s5] =	ssyncadd.s32 $0xFFFFDC00  }
0x147: {  	[hbm4b:s10+s3] =	stream.linear.scatter [tilespmem:s28], [sflag:$0x2], $0x2400, $0x38;
	[tilespmem:$0x12900] =	vst v63  }
0x148: {  	_ =	swait.ge [sflag:s5], $0x2400  }
0x149: {  	[sflag:s5] =	ssyncset.done $0x0  }
0x14a: {  	s11 =	rddreg [dreg:$0xb];
	[sflag:s5] =	ssyncadd.s32 $0xFFFFDC00  }
0x14b: {  	[hbm4b:s11+s24] =	stream.strided.scatter [tilespmem:s28], [sflag:$0x2], $0x2400, s7, s24, $0x38;
	[tilespmem:$0x12900] =	vst v63  }
0x14c: {  	_ =	swait.ge [sflag:s5], $0x2400  }
0x14d: {  	[sflag:s5] =	ssyncset.done $0x0  }
0x14e: {  	s12 =	rddreg [dreg:$0xc];
	[sflag:s5] =	ssyncadd.s32 $0xFFFFDC00  }
0x14f: {  	[hbm4b:s12+s3] =	stream.linear.scatter [tilespmem:s9], [sflag:$0x2], $0x2400, $0x38;
	[tilespmem:$0x12900] =	vst v63  }
0x150: {  	_ =	swait.ge [sflag:s5], $0x2400  }
0x151: {  	[sflag:s5] =	ssyncset.done $0x0  }
0x152: {  	s13 =	rddreg [dreg:$0xd];
	[sflag:s5] =	ssyncadd.s32 $0xFFFFDC00  }
0x153: {  	[hbm4b:s13+s24] =	stream.strided.scatter [tilespmem:s9], [sflag:$0x2], $0x2400, s7, s24, $0x38;
	[tilespmem:$0x12900] =	vst v63  }
0x154: {  	_ =	swait.ge [sflag:s5], $0x2400  }
0x155: {  	[sflag:s5] =	ssyncset.done $0x0  }
0x156: {  	s14 =	rddreg [dreg:$0xe];
	[sflag:s5] =	ssyncadd.s32 $0xFFFFDC00  }
0x157: {  	[hbm4b:s14+s3] =	stream.linear.scatter [tilespmem:s29], [sflag:$0x2], $0x2400, $0x38;
	[tilespmem:$0x12900] =	vst v63  }
0x158: {  	_ =	swait.ge [sflag:s5], $0x2400  }
0x159: {  	[sflag:s5] =	ssyncset.done $0x0  }
0x15a: {  	s15 =	rddreg [dreg:$0xf];
	[sflag:s5] =	ssyncadd.s32 $0xFFFFDC00  }
0x15b: {  	[hbm4b:s15+s24] =	stream.strided.scatter [tilespmem:s29], [sflag:$0x2], $0x2400, s7, s24, $0x38;
	[tilespmem:$0x12900] =	vst v63  }
0x15c: {  	_ =	swait.ge [sflag:s5], $0x2400  }
0x15d: {  	[sflag:s5] =	ssyncset.done $0x0  }
0x15e: {  	s16 =	rddreg [dreg:$0x10];
	[sflag:s5] =	ssyncadd.s32 $0xFFFFDC00  }
0x15f: {  	[hbm4b:s16+s3] =	stream.linear.scatter [tilespmem:s30], [sflag:$0x2], $0x2400, $0x38;
	[tilespmem:$0x12900] =	vst v63  }
0x160: {  	_ =	swait.ge [sflag:s5], $0x2400  }
0x161: {  	p0 =	sne.s32 s1, $0x1;
	[sflag:s5] =	ssyncset.done $0x0  }
.Ltmp1:
0x162: {  	s17 =	rddreg [dreg:$0x11];
	[sflag:s5] =	ssyncadd.s32 $0xFFFFDC00;
	(pc) =	sbr.rel @p0 .LBB2_1-.Ltmp1, $4  }
0x163: {  	[hbm4b:s17+s24] =	stream.strided.scatter [tilespmem:s30], [sflag:$0x2], $0x2400, s7, s24, $0x38;
	[tilespmem:$0x12900] =	vst v63  }
0x164: {  	_ =	swait.ge [sflag:s5], $0x2400  }
0x165: {  	[sflag:s5] =	ssyncset.done $0x0  }
0x166: {  	s1 =	sadd.s32 $0xFFFFFFFF, s1;
	s0 =	rddreg [dreg:$0x12];
	[sflag:s5] =	ssyncadd.s32 $0xFFFFDC00  }
.LBB2_2:
0x167: {  	[hbm4b:s0+s3] =	stream.linear.scatter [tilespmem:s31], [sflag:$0x2], $0x2400, $0x38;
	[tilespmem:$0x12900] =	vst v63  }
0x168: {  	_ =	swait.ge [sflag:s5], $0x2400  }
0x169: {  	[sflag:s5] =	ssyncset.done $0x0  }
0x16a: {  	s30 =	rddreg [dreg:$0x13];
	[sflag:s5] =	ssyncadd.s32 $0xFFFFDC00  }
0x16b: {  	[hbm4b:s30+s24] =	stream.strided.scatter [tilespmem:s31], [sflag:$0x2], $0x2400, s7, s24, $0x38;
	[tilespmem:$0x12900] =	vst v63  }
0x16c: {  	_ =	swait.ge [sflag:s5], $0x2400  }
0x16d: {  	[sflag:s5] =	ssyncset.done $0x0  }
0x16e: {  	[sflag:s5] =	ssyncadd.s32 $0xFFFFDC00  }
0x16f: {  	_ =	sfence.sel $0x180000  }
0x170: {  	[bflag:$0x0] =	sbarrier.arrive $0xFFFF  }
0x171: {  	_ =	strace $0x90000047  }
0x172: {  	s31 =	stileid.u32;
	[bflag:$0x2] =	sbarrier.arrive $0xFFFF  }
0x173: {  	p0 =	sne.s32 s31, $0x0;
	s0 =	rddreg [dreg:$0x3]  }
0x174: {  	s0 =	sadd.s32 @!p0 $0x100000, s0  }
0x175: {  	[sflag:s0] =	ssyncadd.tile.s32 @!p0 $0x1;
	_ =	shalt  }
.Lfunc_end2:
_tile_overlayer_lowered:
.L_overlay_start_2:
0x176: {  	(tag) =	ssettag $0x2  }
0x177: {  	s0 =	rddreg [dreg:$0x0];
	s2 =	stileid.u32  }
0x178: {  	s1 =	rddreg [dreg:$0x1];
	p0 =	sne.s32 s2, $0x0  }
0x179: {  	s3 =	rddreg [dreg:$0x2];
	[bflag:$0x3] =	sbarrier.arrive $0xFFFF;
	s2 =	simm.s32 @!p0 $0x1C02  }
0x17a: {  	[timem:s3], [sflag:s2] =	dma.local @!p0 [hbm:s0], s1  }
0x17b: {  	s0 =	simm.s32 @!p0 $0x2  }
0x17c: {  	_ =	swait.ge @!p0 [sflag:s0], s1  }
0x17d: {  	s1 =	ssub.s32 @!p0 $0x0, s1;
	[sflag:s0] =	ssyncset.done @!p0 $0x0  }
0x17e: {  	[sflag:s0] =	ssyncadd.s32 @!p0 s1  }
0x17f: {  	[bflag:$0x3] =	sbarrier.arrive $0xFFFF  }
0x180: {  	_ =	shalt  }

</sc_bundles>
